<compile_context>
chip_gen: v7x
topology: tpu7x:2x2x1
jax: 0.10.2.dev20260603
libtpu: 0.0.44.dev20260713+nightly
codegen_flags: <defaults>
</compile_context>

<pallas_src>
import jax
import jax.numpy as jnp
from jax import lax
from jax.experimental import pallas as pl
from jax.experimental.pallas import tpu as pltpu
from jax.experimental.pallas import tpu_sc as plsc

_NC = 2
_NS = 16
_NW = _NC * _NS

_B = 4096
_L = 50
_H = 32
_TOT = _B * _L
_PER_W = _TOT // _NW
_CH = 128
_NCH = _PER_W // _CH
_SUP = 5
_NSUP = _NCH // _SUP
_SROWS = _SUP * _CH


def _emb_body(cond_hbm, table_hbm, out_hbm, idx_v, buf0, buf1, g0, g1, w0, w1):
    wid = lax.axis_index("s") * _NC + lax.axis_index("c")
    out_w = out_hbm.at[wid]
    pltpu.sync_copy(cond_hbm.at[wid], idx_v)

    def fire(buf, gsem, s):
        for k in range(_SUP):
            pltpu.async_copy(
                table_hbm.at[idx_v.at[s * _SUP + k]],
                buf.at[pl.ds(k * _CH, _CH)], gsem)

    def drain_gather(buf, gsem, s):
        pltpu.make_async_copy(out_w.at[s], buf, gsem).wait()

    def start_write(buf, wsem, s):
        pltpu.async_copy(buf, out_w.at[s], wsem)

    def wait_write(buf, wsem, s):
        pltpu.make_async_copy(buf, out_w.at[s], wsem).wait()

    def outer(t, carry):
        s0 = 2 * t
        s1 = 2 * t + 1

        @pl.when(t > 0)
        def _():
            wait_write(buf0, w0, s0 - 2)
        fire(buf0, g0, s0)

        @pl.when(t > 0)
        def _():
            drain_gather(buf1, g1, s0 - 1)
            start_write(buf1, w1, s0 - 1)
            wait_write(buf1, w1, s1 - 2)
        fire(buf1, g1, s1)

        drain_gather(buf0, g0, s0)
        start_write(buf0, w0, s0)
        return carry

    lax.fori_loop(0, _NSUP // 2, outer, 0)
    drain_gather(buf1, g1, _NSUP - 1)
    start_write(buf1, w1, _NSUP - 1)
    wait_write(buf0, w0, _NSUP - 2)
    wait_write(buf1, w1, _NSUP - 1)


@jax.jit
def kernel(conditions, table):
    idx = conditions.reshape(_NW, _NCH, _CH)
    mesh = plsc.VectorSubcoreMesh(
        core_axis_name="c", subcore_axis_name="s",
        num_cores=_NC, num_subcores=_NS)
    out = pl.kernel(
        _emb_body,
        out_type=jax.ShapeDtypeStruct((_NW, _NSUP, _SROWS, _H), jnp.float32),
        mesh=mesh,
        scratch_types=[
            pltpu.VMEM((_NCH, _CH), jnp.int32),
            pltpu.VMEM((_SROWS, _H), jnp.float32),
            pltpu.VMEM((_SROWS, _H), jnp.float32),
            pltpu.SemaphoreType.DMA,
            pltpu.SemaphoreType.DMA,
            pltpu.SemaphoreType.DMA,
            pltpu.SemaphoreType.DMA,
        ],
        compiler_params=pltpu.CompilerParams(use_tc_tiling_on_sc=False),
    )(idx, table)
    return out.reshape(_B, _L * _H)

# --- scband reference (transcript-rebuilt; emitter-appended) ---
"""Pipeline reference for scband-condition-embedder-31868657336716 (READ-ONLY COPY).

The authoritative reference and input builder live on the scoring server;
editing this copy changes nothing except your own understanding.
"""

import jax, jax.numpy as jnp
import numpy as np

NODES_SIZE = 1000000
HIDDEN_SIZE = 32
BATCH = 4096
HIST_LEN = 50

def setup_inputs(seed: int = 0) -> dict:
    key = jax.random.key(seed)
    k1, k2 = jax.random.split(key)
    conditions = jax.random.randint(k1, (BATCH, HIST_LEN), 0, NODES_SIZE, dtype=jnp.int64 if jax.config.jax_enable_x64 else jnp.int32).astype(jnp.int32)
    # Embedding table (learned parameter), init like nn.Embedding: N(0, 1)
    table = jax.random.normal(k2, (NODES_SIZE, HIDDEN_SIZE), dtype=jnp.float32)
    return {"conditions": conditions, "table": table}

def reference(conditions, table):
    # embeddings = self.embedding(conditions)  -> gather rows
    embeddings = jnp.take(table, conditions, axis=0)  # [B, L, H]
    # return embeddings.flatten(1)
    return embeddings.reshape(embeddings.shape[0], -1)  # [B, L*H]

if __name__ == "__main__":
    import jax
    _d = setup_inputs()
    print(jax.jit(kernel)(*tuple(_d.values())))

</pallas_src>

<mosaic_0001>
#map = affine_map<(d0, d1) -> (0, 0, 0)>
#map1 = affine_map<(d0, d1) -> (0, 0)>
#map2 = affine_map<(d0, d1) -> (0, 0, 0, 0)>
module attributes {stable_mosaic.version = 14 : i64} {
  func.func @_emb_body(%arg0: i32, %arg1: i32, %arg2: memref<32x50x128xi32, #tpu.memory_space<hbm>>, %arg3: memref<1000000x32xf32, #tpu.memory_space<hbm>>, %arg4: memref<32x10x640x32xf32, #tpu.memory_space<hbm>>, %arg5: memref<50x128xi32, #tpu.memory_space<vmem>>, %arg6: memref<640x32xf32, #tpu.memory_space<vmem>>, %arg7: memref<640x32xf32, #tpu.memory_space<vmem>>, %arg8: memref<!tpu.dma_semaphore, #tpu.memory_space<semaphore_mem>>, %arg9: memref<!tpu.dma_semaphore, #tpu.memory_space<semaphore_mem>>, %arg10: memref<!tpu.dma_semaphore, #tpu.memory_space<semaphore_mem>>, %arg11: memref<!tpu.dma_semaphore, #tpu.memory_space<semaphore_mem>>) attributes {dimension_semantics = [#tpu.dimension_semantics<core_parallel>, #tpu.dimension_semantics<subcore_parallel>], iteration_bounds = array<i64: 2, 16>, scalar_prefetch = 0 : i64, scratch_operands = 7 : i64, tpu.core_type = #tpu.core_type<sc_vector_subcore>, window_params = [{transform_indices = #map}, {transform_indices = #map1}, {transform_indices = #map2}]} {
    %mul3A = arith.constant 2 : i32
    %mul3A_0 = arith.muli %arg1, %mul3A : i32
    %add3A = arith.addi %mul3A_0, %arg0 : i32
    "tpu.region"() ({
      %run_scoped3A = tpu.sem_alloc : memref<!tpu.dma_semaphore, #tpu.memory_space<semaphore_mem>>
      %dma_start3A_80 = arith.constant 0 : i32
      %dma_start3A_81 = arith.constant 0 : i32
      %dma_start3A_82 = tpu.memref_slice %arg2[%add3A, %dma_start3A_80, %dma_start3A_81] : memref<32x50x128xi32, #tpu.memory_space<hbm>> -> memref<1x50x128xi32, #tpu.memory_space<hbm>>
      %dma_start3A_83 = tpu.memref_squeeze %dma_start3A_82 : memref<1x50x128xi32, #tpu.memory_space<hbm>> -> memref<50x128xi32, #tpu.memory_space<hbm>>
      %dma_start3A_84 = arith.constant 0 : i32
      %dma_start3A_85 = arith.constant 0 : i32
      %dma_start3A_86 = tpu.memref_slice %arg2[%add3A, %dma_start3A_84, %dma_start3A_85] : memref<32x50x128xi32, #tpu.memory_space<hbm>> -> memref<1x50x128xi32, #tpu.memory_space<hbm>>
      %dma_start3A_87 = tpu.memref_squeeze %dma_start3A_86 : memref<1x50x128xi32, #tpu.memory_space<hbm>> -> memref<50x128xi32, #tpu.memory_space<hbm>>
      tpu.enqueue_dma source(%dma_start3A_87 : memref<50x128xi32, #tpu.memory_space<hbm>>) target(%arg5 : memref<50x128xi32, #tpu.memory_space<vmem>>) target_semaphore(%run_scoped3A : memref<!tpu.dma_semaphore, #tpu.memory_space<semaphore_mem>>)
      %dma_wait3A_88 = arith.constant 0 : i32
      %dma_wait3A_89 = arith.constant 0 : i32
      %dma_wait3A_90 = tpu.memref_slice %arg2[%add3A, %dma_wait3A_88, %dma_wait3A_89] : memref<32x50x128xi32, #tpu.memory_space<hbm>> -> memref<1x50x128xi32, #tpu.memory_space<hbm>>
      %dma_wait3A_91 = tpu.memref_squeeze %dma_wait3A_90 : memref<1x50x128xi32, #tpu.memory_space<hbm>> -> memref<50x128xi32, #tpu.memory_space<hbm>>
      %dma_wait3A_92 = arith.constant 0 : i32
      %dma_wait3A_93 = arith.constant 0 : i32
      %dma_wait3A_94 = tpu.memref_slice %arg2[%add3A, %dma_wait3A_92, %dma_wait3A_93] : memref<32x50x128xi32, #tpu.memory_space<hbm>> -> memref<1x50x128xi32, #tpu.memory_space<hbm>>
      %dma_wait3A_95 = tpu.memref_squeeze %dma_wait3A_94 : memref<1x50x128xi32, #tpu.memory_space<hbm>> -> memref<50x128xi32, #tpu.memory_space<hbm>>
      tpu.wait_dma2 semaphore(%run_scoped3A : memref<!tpu.dma_semaphore, #tpu.memory_space<semaphore_mem>>) src(%dma_wait3A_95 : memref<50x128xi32, #tpu.memory_space<hbm>>) dst(%arg5 : memref<50x128xi32, #tpu.memory_space<vmem>>)
      tpu.yield
    }) : () -> ()
    %scan3A = arith.constant 0 : i32
    %scan3A_1 = arith.constant 0 : i32
    %scan3A_2 = arith.constant 5 : i32
    %scan3A_3 = arith.addi %scan3A_1, %scan3A_2 : i32
    %scan3A_4 = arith.constant 1 : i32
    scf.for %scan3A_80 = %scan3A_1 to %scan3A_3 step %scan3A_4  : i32 {
      %mul3A_81 = arith.constant 2 : i32
      %mul3A_82 = arith.muli %mul3A_81, %scan3A_80 : i32
      %mul3A_83 = arith.constant 2 : i32
      %mul3A_84 = arith.muli %mul3A_83, %scan3A_80 : i32
      %add3A_85 = arith.constant 1 : i32
      %add3A_86 = arith.addi %mul3A_84, %add3A_85 : i32
      %gt3A = arith.constant 0 : i32
      %gt3A_87 = arith.cmpi sgt, %scan3A_80, %gt3A : i32
      %convert_element_type3A = arith.extui %gt3A_87 : i1 to i32
      %cond3A = arith.constant 0 : i32
      %cond3A_88 = arith.cmpi ne, %convert_element_type3A, %cond3A : i32
      scf.if %cond3A_88 {
        %sub3A = arith.constant 2 : i32
        %sub3A_260 = arith.subi %mul3A_82, %sub3A : i32
        %dma_wait3A_261 = arith.constant 0 : i32
        %dma_wait3A_262 = arith.constant 0 : i32
        %dma_wait3A_263 = arith.constant 0 : i32
        %dma_wait3A_264 = tpu.memref_slice %arg4[%add3A, %dma_wait3A_261, %dma_wait3A_262, %dma_wait3A_263] : memref<32x10x640x32xf32, #tpu.memory_space<hbm>> -> memref<1x10x640x32xf32, #tpu.memory_space<hbm>>
        %dma_wait3A_265 = tpu.memref_squeeze %dma_wait3A_264 : memref<1x10x640x32xf32, #tpu.memory_space<hbm>> -> memref<10x640x32xf32, #tpu.memory_space<hbm>>
        %dma_wait3A_266 = arith.constant 0 : i32
        %dma_wait3A_267 = arith.constant 0 : i32
        %dma_wait3A_268 = tpu.memref_slice %dma_wait3A_265[%sub3A_260, %dma_wait3A_266, %dma_wait3A_267] : memref<10x640x32xf32, #tpu.memory_space<hbm>> -> memref<1x640x32xf32, #tpu.memory_space<hbm>>
        %dma_wait3A_269 = tpu.memref_squeeze %dma_wait3A_268 : memref<1x640x32xf32, #tpu.memory_space<hbm>> -> memref<640x32xf32, #tpu.memory_space<hbm>>
        %dma_wait3A_270 = arith.constant 0 : i32
        %dma_wait3A_271 = arith.constant 0 : i32
        %dma_wait3A_272 = arith.constant 0 : i32
        %dma_wait3A_273 = tpu.memref_slice %arg4[%add3A, %dma_wait3A_270, %dma_wait3A_271, %dma_wait3A_272] : memref<32x10x640x32xf32, #tpu.memory_space<hbm>> -> memref<1x10x640x32xf32, #tpu.memory_space<hbm>>
        %dma_wait3A_274 = tpu.memref_squeeze %dma_wait3A_273 : memref<1x10x640x32xf32, #tpu.memory_space<hbm>> -> memref<10x640x32xf32, #tpu.memory_space<hbm>>
        %dma_wait3A_275 = arith.constant 0 : i32
        %dma_wait3A_276 = arith.constant 0 : i32
        %dma_wait3A_277 = tpu.memref_slice %dma_wait3A_274[%sub3A_260, %dma_wait3A_275, %dma_wait3A_276] : memref<10x640x32xf32, #tpu.memory_space<hbm>> -> memref<1x640x32xf32, #tpu.memory_space<hbm>>
        %dma_wait3A_278 = tpu.memref_squeeze %dma_wait3A_277 : memref<1x640x32xf32, #tpu.memory_space<hbm>> -> memref<640x32xf32, #tpu.memory_space<hbm>>
        tpu.wait_dma2 semaphore(%arg10 : memref<!tpu.dma_semaphore, #tpu.memory_space<semaphore_mem>>) src(%arg6 : memref<640x32xf32, #tpu.memory_space<vmem>>) dst(%dma_wait3A_278 : memref<640x32xf32, #tpu.memory_space<hbm>>)
      } else {
      }
      %mul3A_89 = arith.constant 5 : i32
      %mul3A_90 = arith.muli %mul3A_82, %mul3A_89 : i32
      %add3A_91 = arith.constant 0 : i32
      %add3A_92 = arith.addi %mul3A_90, %add3A_91 : i32
      %dma_start3A_93 = arith.constant 0 : i32
      %dma_start3A_94 = arith.constant 0 : i32
      %dma_start3A_95 = tpu.memref_slice %arg6[%dma_start3A_93, %dma_start3A_94] : memref<640x32xf32, #tpu.memory_space<vmem>> -> memref<128x32xf32, #tpu.memory_space<vmem>>
      %dma_start3A_96 = arith.constant 0 : i32
      %dma_start3A_97 = tpu.memref_slice %arg5[%add3A_92, %dma_start3A_96] : memref<50x128xi32, #tpu.memory_space<vmem>> -> memref<1x128xi32, #tpu.memory_space<vmem>>
      %dma_start3A_98 = tpu.memref_squeeze %dma_start3A_97 : memref<1x128xi32, #tpu.memory_space<vmem>> -> memref<128xi32, #tpu.memory_space<vmem>>
      %dma_start3A_99 = arith.constant 0 : i32
      %dma_start3A_100 = arith.constant 0 : i32
      %dma_start3A_101 = tpu.memref_slice %arg3[%dma_start3A_99, %dma_start3A_100] : memref<1000000x32xf32, #tpu.memory_space<hbm>> -> memref<1000000x32xf32, #tpu.memory_space<hbm>>
      tpu.enqueue_indirect_dma source(%dma_start3A_101 : memref<1000000x32xf32, #tpu.memory_space<hbm>>) target(%dma_start3A_95 : memref<128x32xf32, #tpu.memory_space<vmem>>) offsets(%dma_start3A_98 : memref<128xi32, #tpu.memory_space<vmem>>) semaphore(%arg8 : memref<!tpu.dma_semaphore, #tpu.memory_space<semaphore_mem>>)
      %mul3A_102 = arith.constant 5 : i32
      %mul3A_103 = arith.muli %mul3A_82, %mul3A_102 : i32
      %add3A_104 = arith.constant 1 : i32
      %add3A_105 = arith.addi %mul3A_103, %add3A_104 : i32
      %dma_start3A_106 = arith.constant 128 : i32
      %dma_start3A_107 = arith.constant 0 : i32
      %dma_start3A_108 = tpu.memref_slice %arg6[%dma_start3A_106, %dma_start3A_107] : memref<640x32xf32, #tpu.memory_space<vmem>> -> memref<128x32xf32, #tpu.memory_space<vmem>>
      %dma_start3A_109 = arith.constant 0 : i32
      %dma_start3A_110 = tpu.memref_slice %arg5[%add3A_105, %dma_start3A_109] : memref<50x128xi32, #tpu.memory_space<vmem>> -> memref<1x128xi32, #tpu.memory_space<vmem>>
      %dma_start3A_111 = tpu.memref_squeeze %dma_start3A_110 : memref<1x128xi32, #tpu.memory_space<vmem>> -> memref<128xi32, #tpu.memory_space<vmem>>
      %dma_start3A_112 = arith.constant 0 : i32
      %dma_start3A_113 = arith.constant 0 : i32
      %dma_start3A_114 = tpu.memref_slice %arg3[%dma_start3A_112, %dma_start3A_113] : memref<1000000x32xf32, #tpu.memory_space<hbm>> -> memref<1000000x32xf32, #tpu.memory_space<hbm>>
      tpu.enqueue_indirect_dma source(%dma_start3A_114 : memref<1000000x32xf32, #tpu.memory_space<hbm>>) target(%dma_start3A_108 : memref<128x32xf32, #tpu.memory_space<vmem>>) offsets(%dma_start3A_111 : memref<128xi32, #tpu.memory_space<vmem>>) semaphore(%arg8 : memref<!tpu.dma_semaphore, #tpu.memory_space<semaphore_mem>>)
      %mul3A_115 = arith.constant 5 : i32
      %mul3A_116 = arith.muli %mul3A_82, %mul3A_115 : i32
      %add3A_117 = arith.constant 2 : i32
      %add3A_118 = arith.addi %mul3A_116, %add3A_117 : i32
      %dma_start3A_119 = arith.constant 256 : i32
      %dma_start3A_120 = arith.constant 0 : i32
      %dma_start3A_121 = tpu.memref_slice %arg6[%dma_start3A_119, %dma_start3A_120] : memref<640x32xf32, #tpu.memory_space<vmem>> -> memref<128x32xf32, #tpu.memory_space<vmem>>
      %dma_start3A_122 = arith.constant 0 : i32
      %dma_start3A_123 = tpu.memref_slice %arg5[%add3A_118, %dma_start3A_122] : memref<50x128xi32, #tpu.memory_space<vmem>> -> memref<1x128xi32, #tpu.memory_space<vmem>>
      %dma_start3A_124 = tpu.memref_squeeze %dma_start3A_123 : memref<1x128xi32, #tpu.memory_space<vmem>> -> memref<128xi32, #tpu.memory_space<vmem>>
      %dma_start3A_125 = arith.constant 0 : i32
      %dma_start3A_126 = arith.constant 0 : i32
      %dma_start3A_127 = tpu.memref_slice %arg3[%dma_start3A_125, %dma_start3A_126] : memref<1000000x32xf32, #tpu.memory_space<hbm>> -> memref<1000000x32xf32, #tpu.memory_space<hbm>>
      tpu.enqueue_indirect_dma source(%dma_start3A_127 : memref<1000000x32xf32, #tpu.memory_space<hbm>>) target(%dma_start3A_121 : memref<128x32xf32, #tpu.memory_space<vmem>>) offsets(%dma_start3A_124 : memref<128xi32, #tpu.memory_space<vmem>>) semaphore(%arg8 : memref<!tpu.dma_semaphore, #tpu.memory_space<semaphore_mem>>)
      %mul3A_128 = arith.constant 5 : i32
      %mul3A_129 = arith.muli %mul3A_82, %mul3A_128 : i32
      %add3A_130 = arith.constant 3 : i32
      %add3A_131 = arith.addi %mul3A_129, %add3A_130 : i32
      %dma_start3A_132 = arith.constant 384 : i32
      %dma_start3A_133 = arith.constant 0 : i32
      %dma_start3A_134 = tpu.memref_slice %arg6[%dma_start3A_132, %dma_start3A_133] : memref<640x32xf32, #tpu.memory_space<vmem>> -> memref<128x32xf32, #tpu.memory_space<vmem>>
      %dma_start3A_135 = arith.constant 0 : i32
      %dma_start3A_136 = tpu.memref_slice %arg5[%add3A_131, %dma_start3A_135] : memref<50x128xi32, #tpu.memory_space<vmem>> -> memref<1x128xi32, #tpu.memory_space<vmem>>
      %dma_start3A_137 = tpu.memref_squeeze %dma_start3A_136 : memref<1x128xi32, #tpu.memory_space<vmem>> -> memref<128xi32, #tpu.memory_space<vmem>>
      %dma_start3A_138 = arith.constant 0 : i32
      %dma_start3A_139 = arith.constant 0 : i32
      %dma_start3A_140 = tpu.memref_slice %arg3[%dma_start3A_138, %dma_start3A_139] : memref<1000000x32xf32, #tpu.memory_space<hbm>> -> memref<1000000x32xf32, #tpu.memory_space<hbm>>
      tpu.enqueue_indirect_dma source(%dma_start3A_140 : memref<1000000x32xf32, #tpu.memory_space<hbm>>) target(%dma_start3A_134 : memref<128x32xf32, #tpu.memory_space<vmem>>) offsets(%dma_start3A_137 : memref<128xi32, #tpu.memory_space<vmem>>) semaphore(%arg8 : memref<!tpu.dma_semaphore, #tpu.memory_space<semaphore_mem>>)
      %mul3A_141 = arith.constant 5 : i32
      %mul3A_142 = arith.muli %mul3A_82, %mul3A_141 : i32
      %add3A_143 = arith.constant 4 : i32
      %add3A_144 = arith.addi %mul3A_142, %add3A_143 : i32
      %dma_start3A_145 = arith.constant 512 : i32
      %dma_start3A_146 = arith.constant 0 : i32
      %dma_start3A_147 = tpu.memref_slice %arg6[%dma_start3A_145, %dma_start3A_146] : memref<640x32xf32, #tpu.memory_space<vmem>> -> memref<128x32xf32, #tpu.memory_space<vmem>>
      %dma_start3A_148 = arith.constant 0 : i32
      %dma_start3A_149 = tpu.memref_slice %arg5[%add3A_144, %dma_start3A_148] : memref<50x128xi32, #tpu.memory_space<vmem>> -> memref<1x128xi32, #tpu.memory_space<vmem>>
      %dma_start3A_150 = tpu.memref_squeeze %dma_start3A_149 : memref<1x128xi32, #tpu.memory_space<vmem>> -> memref<128xi32, #tpu.memory_space<vmem>>
      %dma_start3A_151 = arith.constant 0 : i32
      %dma_start3A_152 = arith.constant 0 : i32
      %dma_start3A_153 = tpu.memref_slice %arg3[%dma_start3A_151, %dma_start3A_152] : memref<1000000x32xf32, #tpu.memory_space<hbm>> -> memref<1000000x32xf32, #tpu.memory_space<hbm>>
      tpu.enqueue_indirect_dma source(%dma_start3A_153 : memref<1000000x32xf32, #tpu.memory_space<hbm>>) target(%dma_start3A_147 : memref<128x32xf32, #tpu.memory_space<vmem>>) offsets(%dma_start3A_150 : memref<128xi32, #tpu.memory_space<vmem>>) semaphore(%arg8 : memref<!tpu.dma_semaphore, #tpu.memory_space<semaphore_mem>>)
      %gt3A_154 = arith.constant 0 : i32
      %gt3A_155 = arith.cmpi sgt, %scan3A_80, %gt3A_154 : i32
      %convert_element_type3A_156 = arith.extui %gt3A_155 : i1 to i32
      %cond3A_157 = arith.constant 0 : i32
      %cond3A_158 = arith.cmpi ne, %convert_element_type3A_156, %cond3A_157 : i32
      scf.if %cond3A_158 {
        %sub3A = arith.constant 1 : i32
        %sub3A_260 = arith.subi %mul3A_82, %sub3A : i32
        %dma_wait3A_261 = arith.constant 0 : i32
        %dma_wait3A_262 = arith.constant 0 : i32
        %dma_wait3A_263 = arith.constant 0 : i32
        %dma_wait3A_264 = tpu.memref_slice %arg4[%add3A, %dma_wait3A_261, %dma_wait3A_262, %dma_wait3A_263] : memref<32x10x640x32xf32, #tpu.memory_space<hbm>> -> memref<1x10x640x32xf32, #tpu.memory_space<hbm>>
        %dma_wait3A_265 = tpu.memref_squeeze %dma_wait3A_264 : memref<1x10x640x32xf32, #tpu.memory_space<hbm>> -> memref<10x640x32xf32, #tpu.memory_space<hbm>>
        %dma_wait3A_266 = arith.constant 0 : i32
        %dma_wait3A_267 = arith.constant 0 : i32
        %dma_wait3A_268 = tpu.memref_slice %dma_wait3A_265[%sub3A_260, %dma_wait3A_266, %dma_wait3A_267] : memref<10x640x32xf32, #tpu.memory_space<hbm>> -> memref<1x640x32xf32, #tpu.memory_space<hbm>>
        %dma_wait3A_269 = tpu.memref_squeeze %dma_wait3A_268 : memref<1x640x32xf32, #tpu.memory_space<hbm>> -> memref<640x32xf32, #tpu.memory_space<hbm>>
        %dma_wait3A_270 = arith.constant 0 : i32
        %dma_wait3A_271 = arith.constant 0 : i32
        %dma_wait3A_272 = arith.constant 0 : i32
        %dma_wait3A_273 = tpu.memref_slice %arg4[%add3A, %dma_wait3A_270, %dma_wait3A_271, %dma_wait3A_272] : memref<32x10x640x32xf32, #tpu.memory_space<hbm>> -> memref<1x10x640x32xf32, #tpu.memory_space<hbm>>
        %dma_wait3A_274 = tpu.memref_squeeze %dma_wait3A_273 : memref<1x10x640x32xf32, #tpu.memory_space<hbm>> -> memref<10x640x32xf32, #tpu.memory_space<hbm>>
        %dma_wait3A_275 = arith.constant 0 : i32
        %dma_wait3A_276 = arith.constant 0 : i32
        %dma_wait3A_277 = tpu.memref_slice %dma_wait3A_274[%sub3A_260, %dma_wait3A_275, %dma_wait3A_276] : memref<10x640x32xf32, #tpu.memory_space<hbm>> -> memref<1x640x32xf32, #tpu.memory_space<hbm>>
        %dma_wait3A_278 = tpu.memref_squeeze %dma_wait3A_277 : memref<1x640x32xf32, #tpu.memory_space<hbm>> -> memref<640x32xf32, #tpu.memory_space<hbm>>
        tpu.wait_dma2 semaphore(%arg9 : memref<!tpu.dma_semaphore, #tpu.memory_space<semaphore_mem>>) src(%dma_wait3A_278 : memref<640x32xf32, #tpu.memory_space<hbm>>) dst(%arg7 : memref<640x32xf32, #tpu.memory_space<vmem>>)
        %sub3A_279 = arith.constant 1 : i32
        %sub3A_280 = arith.subi %mul3A_82, %sub3A_279 : i32
        %dma_start3A_281 = arith.constant 0 : i32
        %dma_start3A_282 = arith.constant 0 : i32
        %dma_start3A_283 = arith.constant 0 : i32
        %dma_start3A_284 = tpu.memref_slice %arg4[%add3A, %dma_start3A_281, %dma_start3A_282, %dma_start3A_283] : memref<32x10x640x32xf32, #tpu.memory_space<hbm>> -> memref<1x10x640x32xf32, #tpu.memory_space<hbm>>
        %dma_start3A_285 = tpu.memref_squeeze %dma_start3A_284 : memref<1x10x640x32xf32, #tpu.memory_space<hbm>> -> memref<10x640x32xf32, #tpu.memory_space<hbm>>
        %dma_start3A_286 = arith.constant 0 : i32
        %dma_start3A_287 = arith.constant 0 : i32
        %dma_start3A_288 = tpu.memref_slice %dma_start3A_285[%sub3A_280, %dma_start3A_286, %dma_start3A_287] : memref<10x640x32xf32, #tpu.memory_space<hbm>> -> memref<1x640x32xf32, #tpu.memory_space<hbm>>
        %dma_start3A_289 = tpu.memref_squeeze %dma_start3A_288 : memref<1x640x32xf32, #tpu.memory_space<hbm>> -> memref<640x32xf32, #tpu.memory_space<hbm>>
        %dma_start3A_290 = arith.constant 0 : i32
        %dma_start3A_291 = arith.constant 0 : i32
        %dma_start3A_292 = arith.constant 0 : i32
        %dma_start3A_293 = tpu.memref_slice %arg4[%add3A, %dma_start3A_290, %dma_start3A_291, %dma_start3A_292] : memref<32x10x640x32xf32, #tpu.memory_space<hbm>> -> memref<1x10x640x32xf32, #tpu.memory_space<hbm>>
        %dma_start3A_294 = tpu.memref_squeeze %dma_start3A_293 : memref<1x10x640x32xf32, #tpu.memory_space<hbm>> -> memref<10x640x32xf32, #tpu.memory_space<hbm>>
        %dma_start3A_295 = arith.constant 0 : i32
        %dma_start3A_296 = arith.constant 0 : i32
        %dma_start3A_297 = tpu.memref_slice %dma_start3A_294[%sub3A_280, %dma_start3A_295, %dma_start3A_296] : memref<10x640x32xf32, #tpu.memory_space<hbm>> -> memref<1x640x32xf32, #tpu.memory_space<hbm>>
        %dma_start3A_298 = tpu.memref_squeeze %dma_start3A_297 : memref<1x640x32xf32, #tpu.memory_space<hbm>> -> memref<640x32xf32, #tpu.memory_space<hbm>>
        tpu.enqueue_dma source(%arg7 : memref<640x32xf32, #tpu.memory_space<vmem>>) target(%dma_start3A_298 : memref<640x32xf32, #tpu.memory_space<hbm>>) target_semaphore(%arg11 : memref<!tpu.dma_semaphore, #tpu.memory_space<semaphore_mem>>)
        %sub3A_299 = arith.constant 2 : i32
        %sub3A_300 = arith.subi %add3A_86, %sub3A_299 : i32
        %dma_wait3A_301 = arith.constant 0 : i32
        %dma_wait3A_302 = arith.constant 0 : i32
        %dma_wait3A_303 = arith.constant 0 : i32
        %dma_wait3A_304 = tpu.memref_slice %arg4[%add3A, %dma_wait3A_301, %dma_wait3A_302, %dma_wait3A_303] : memref<32x10x640x32xf32, #tpu.memory_space<hbm>> -> memref<1x10x640x32xf32, #tpu.memory_space<hbm>>
        %dma_wait3A_305 = tpu.memref_squeeze %dma_wait3A_304 : memref<1x10x640x32xf32, #tpu.memory_space<hbm>> -> memref<10x640x32xf32, #tpu.memory_space<hbm>>
        %dma_wait3A_306 = arith.constant 0 : i32
        %dma_wait3A_307 = arith.constant 0 : i32
        %dma_wait3A_308 = tpu.memref_slice %dma_wait3A_305[%sub3A_300, %dma_wait3A_306, %dma_wait3A_307] : memref<10x640x32xf32, #tpu.memory_space<hbm>> -> memref<1x640x32xf32, #tpu.memory_space<hbm>>
        %dma_wait3A_309 = tpu.memref_squeeze %dma_wait3A_308 : memref<1x640x32xf32, #tpu.memory_space<hbm>> -> memref<640x32xf32, #tpu.memory_space<hbm>>
        %dma_wait3A_310 = arith.constant 0 : i32
        %dma_wait3A_311 = arith.constant 0 : i32
        %dma_wait3A_312 = arith.constant 0 : i32
        %dma_wait3A_313 = tpu.memref_slice %arg4[%add3A, %dma_wait3A_310, %dma_wait3A_311, %dma_wait3A_312] : memref<32x10x640x32xf32, #tpu.memory_space<hbm>> -> memref<1x10x640x32xf32, #tpu.memory_space<hbm>>
        %dma_wait3A_314 = tpu.memref_squeeze %dma_wait3A_313 : memref<1x10x640x32xf32, #tpu.memory_space<hbm>> -> memref<10x640x32xf32, #tpu.memory_space<hbm>>
        %dma_wait3A_315 = arith.constant 0 : i32
        %dma_wait3A_316 = arith.constant 0 : i32
        %dma_wait3A_317 = tpu.memref_slice %dma_wait3A_314[%sub3A_300, %dma_wait3A_315, %dma_wait3A_316] : memref<10x640x32xf32, #tpu.memory_space<hbm>> -> memref<1x640x32xf32, #tpu.memory_space<hbm>>
        %dma_wait3A_318 = tpu.memref_squeeze %dma_wait3A_317 : memref<1x640x32xf32, #tpu.memory_space<hbm>> -> memref<640x32xf32, #tpu.memory_space<hbm>>
        tpu.wait_dma2 semaphore(%arg11 : memref<!tpu.dma_semaphore, #tpu.memory_space<semaphore_mem>>) src(%arg7 : memref<640x32xf32, #tpu.memory_space<vmem>>) dst(%dma_wait3A_318 : memref<640x32xf32, #tpu.memory_space<hbm>>)
      } else {
      }
      %mul3A_159 = arith.constant 5 : i32
      %mul3A_160 = arith.muli %add3A_86, %mul3A_159 : i32
      %add3A_161 = arith.constant 0 : i32
      %add3A_162 = arith.addi %mul3A_160, %add3A_161 : i32
      %dma_start3A_163 = arith.constant 0 : i32
      %dma_start3A_164 = arith.constant 0 : i32
      %dma_start3A_165 = tpu.memref_slice %arg7[%dma_start3A_163, %dma_start3A_164] : memref<640x32xf32, #tpu.memory_space<vmem>> -> memref<128x32xf32, #tpu.memory_space<vmem>>
      %dma_start3A_166 = arith.constant 0 : i32
      %dma_start3A_167 = tpu.memref_slice %arg5[%add3A_162, %dma_start3A_166] : memref<50x128xi32, #tpu.memory_space<vmem>> -> memref<1x128xi32, #tpu.memory_space<vmem>>
      %dma_start3A_168 = tpu.memref_squeeze %dma_start3A_167 : memref<1x128xi32, #tpu.memory_space<vmem>> -> memref<128xi32, #tpu.memory_space<vmem>>
      %dma_start3A_169 = arith.constant 0 : i32
      %dma_start3A_170 = arith.constant 0 : i32
      %dma_start3A_171 = tpu.memref_slice %arg3[%dma_start3A_169, %dma_start3A_170] : memref<1000000x32xf32, #tpu.memory_space<hbm>> -> memref<1000000x32xf32, #tpu.memory_space<hbm>>
      tpu.enqueue_indirect_dma source(%dma_start3A_171 : memref<1000000x32xf32, #tpu.memory_space<hbm>>) target(%dma_start3A_165 : memref<128x32xf32, #tpu.memory_space<vmem>>) offsets(%dma_start3A_168 : memref<128xi32, #tpu.memory_space<vmem>>) semaphore(%arg9 : memref<!tpu.dma_semaphore, #tpu.memory_space<semaphore_mem>>)
      %mul3A_172 = arith.constant 5 : i32
      %mul3A_173 = arith.muli %add3A_86, %mul3A_172 : i32
      %add3A_174 = arith.constant 1 : i32
      %add3A_175 = arith.addi %mul3A_173, %add3A_174 : i32
      %dma_start3A_176 = arith.constant 128 : i32
      %dma_start3A_177 = arith.constant 0 : i32
      %dma_start3A_178 = tpu.memref_slice %arg7[%dma_start3A_176, %dma_start3A_177] : memref<640x32xf32, #tpu.memory_space<vmem>> -> memref<128x32xf32, #tpu.memory_space<vmem>>
      %dma_start3A_179 = arith.constant 0 : i32
      %dma_start3A_180 = tpu.memref_slice %arg5[%add3A_175, %dma_start3A_179] : memref<50x128xi32, #tpu.memory_space<vmem>> -> memref<1x128xi32, #tpu.memory_space<vmem>>
      %dma_start3A_181 = tpu.memref_squeeze %dma_start3A_180 : memref<1x128xi32, #tpu.memory_space<vmem>> -> memref<128xi32, #tpu.memory_space<vmem>>
      %dma_start3A_182 = arith.constant 0 : i32
      %dma_start3A_183 = arith.constant 0 : i32
      %dma_start3A_184 = tpu.memref_slice %arg3[%dma_start3A_182, %dma_start3A_183] : memref<1000000x32xf32, #tpu.memory_space<hbm>> -> memref<1000000x32xf32, #tpu.memory_space<hbm>>
      tpu.enqueue_indirect_dma source(%dma_start3A_184 : memref<1000000x32xf32, #tpu.memory_space<hbm>>) target(%dma_start3A_178 : memref<128x32xf32, #tpu.memory_space<vmem>>) offsets(%dma_start3A_181 : memref<128xi32, #tpu.memory_space<vmem>>) semaphore(%arg9 : memref<!tpu.dma_semaphore, #tpu.memory_space<semaphore_mem>>)
      %mul3A_185 = arith.constant 5 : i32
      %mul3A_186 = arith.muli %add3A_86, %mul3A_185 : i32
      %add3A_187 = arith.constant 2 : i32
      %add3A_188 = arith.addi %mul3A_186, %add3A_187 : i32
      %dma_start3A_189 = arith.constant 256 : i32
      %dma_start3A_190 = arith.constant 0 : i32
      %dma_start3A_191 = tpu.memref_slice %arg7[%dma_start3A_189, %dma_start3A_190] : memref<640x32xf32, #tpu.memory_space<vmem>> -> memref<128x32xf32, #tpu.memory_space<vmem>>
      %dma_start3A_192 = arith.constant 0 : i32
      %dma_start3A_193 = tpu.memref_slice %arg5[%add3A_188, %dma_start3A_192] : memref<50x128xi32, #tpu.memory_space<vmem>> -> memref<1x128xi32, #tpu.memory_space<vmem>>
      %dma_start3A_194 = tpu.memref_squeeze %dma_start3A_193 : memref<1x128xi32, #tpu.memory_space<vmem>> -> memref<128xi32, #tpu.memory_space<vmem>>
      %dma_start3A_195 = arith.constant 0 : i32
      %dma_start3A_196 = arith.constant 0 : i32
      %dma_start3A_197 = tpu.memref_slice %arg3[%dma_start3A_195, %dma_start3A_196] : memref<1000000x32xf32, #tpu.memory_space<hbm>> -> memref<1000000x32xf32, #tpu.memory_space<hbm>>
      tpu.enqueue_indirect_dma source(%dma_start3A_197 : memref<1000000x32xf32, #tpu.memory_space<hbm>>) target(%dma_start3A_191 : memref<128x32xf32, #tpu.memory_space<vmem>>) offsets(%dma_start3A_194 : memref<128xi32, #tpu.memory_space<vmem>>) semaphore(%arg9 : memref<!tpu.dma_semaphore, #tpu.memory_space<semaphore_mem>>)
      %mul3A_198 = arith.constant 5 : i32
      %mul3A_199 = arith.muli %add3A_86, %mul3A_198 : i32
      %add3A_200 = arith.constant 3 : i32
      %add3A_201 = arith.addi %mul3A_199, %add3A_200 : i32
      %dma_start3A_202 = arith.constant 384 : i32
      %dma_start3A_203 = arith.constant 0 : i32
      %dma_start3A_204 = tpu.memref_slice %arg7[%dma_start3A_202, %dma_start3A_203] : memref<640x32xf32, #tpu.memory_space<vmem>> -> memref<128x32xf32, #tpu.memory_space<vmem>>
      %dma_start3A_205 = arith.constant 0 : i32
      %dma_start3A_206 = tpu.memref_slice %arg5[%add3A_201, %dma_start3A_205] : memref<50x128xi32, #tpu.memory_space<vmem>> -> memref<1x128xi32, #tpu.memory_space<vmem>>
      %dma_start3A_207 = tpu.memref_squeeze %dma_start3A_206 : memref<1x128xi32, #tpu.memory_space<vmem>> -> memref<128xi32, #tpu.memory_space<vmem>>
      %dma_start3A_208 = arith.constant 0 : i32
      %dma_start3A_209 = arith.constant 0 : i32
      %dma_start3A_210 = tpu.memref_slice %arg3[%dma_start3A_208, %dma_start3A_209] : memref<1000000x32xf32, #tpu.memory_space<hbm>> -> memref<1000000x32xf32, #tpu.memory_space<hbm>>
      tpu.enqueue_indirect_dma source(%dma_start3A_210 : memref<1000000x32xf32, #tpu.memory_space<hbm>>) target(%dma_start3A_204 : memref<128x32xf32, #tpu.memory_space<vmem>>) offsets(%dma_start3A_207 : memref<128xi32, #tpu.memory_space<vmem>>) semaphore(%arg9 : memref<!tpu.dma_semaphore, #tpu.memory_space<semaphore_mem>>)
      %mul3A_211 = arith.constant 5 : i32
      %mul3A_212 = arith.muli %add3A_86, %mul3A_211 : i32
      %add3A_213 = arith.constant 4 : i32
      %add3A_214 = arith.addi %mul3A_212, %add3A_213 : i32
      %dma_start3A_215 = arith.constant 512 : i32
      %dma_start3A_216 = arith.constant 0 : i32
      %dma_start3A_217 = tpu.memref_slice %arg7[%dma_start3A_215, %dma_start3A_216] : memref<640x32xf32, #tpu.memory_space<vmem>> -> memref<128x32xf32, #tpu.memory_space<vmem>>
      %dma_start3A_218 = arith.constant 0 : i32
      %dma_start3A_219 = tpu.memref_slice %arg5[%add3A_214, %dma_start3A_218] : memref<50x128xi32, #tpu.memory_space<vmem>> -> memref<1x128xi32, #tpu.memory_space<vmem>>
      %dma_start3A_220 = tpu.memref_squeeze %dma_start3A_219 : memref<1x128xi32, #tpu.memory_space<vmem>> -> memref<128xi32, #tpu.memory_space<vmem>>
      %dma_start3A_221 = arith.constant 0 : i32
      %dma_start3A_222 = arith.constant 0 : i32
      %dma_start3A_223 = tpu.memref_slice %arg3[%dma_start3A_221, %dma_start3A_222] : memref<1000000x32xf32, #tpu.memory_space<hbm>> -> memref<1000000x32xf32, #tpu.memory_space<hbm>>
      tpu.enqueue_indirect_dma source(%dma_start3A_223 : memref<1000000x32xf32, #tpu.memory_space<hbm>>) target(%dma_start3A_217 : memref<128x32xf32, #tpu.memory_space<vmem>>) offsets(%dma_start3A_220 : memref<128xi32, #tpu.memory_space<vmem>>) semaphore(%arg9 : memref<!tpu.dma_semaphore, #tpu.memory_space<semaphore_mem>>)
      %dma_wait3A_224 = arith.constant 0 : i32
      %dma_wait3A_225 = arith.constant 0 : i32
      %dma_wait3A_226 = arith.constant 0 : i32
      %dma_wait3A_227 = tpu.memref_slice %arg4[%add3A, %dma_wait3A_224, %dma_wait3A_225, %dma_wait3A_226] : memref<32x10x640x32xf32, #tpu.memory_space<hbm>> -> memref<1x10x640x32xf32, #tpu.memory_space<hbm>>
      %dma_wait3A_228 = tpu.memref_squeeze %dma_wait3A_227 : memref<1x10x640x32xf32, #tpu.memory_space<hbm>> -> memref<10x640x32xf32, #tpu.memory_space<hbm>>
      %dma_wait3A_229 = arith.constant 0 : i32
      %dma_wait3A_230 = arith.constant 0 : i32
      %dma_wait3A_231 = tpu.memref_slice %dma_wait3A_228[%mul3A_82, %dma_wait3A_229, %dma_wait3A_230] : memref<10x640x32xf32, #tpu.memory_space<hbm>> -> memref<1x640x32xf32, #tpu.memory_space<hbm>>
      %dma_wait3A_232 = tpu.memref_squeeze %dma_wait3A_231 : memref<1x640x32xf32, #tpu.memory_space<hbm>> -> memref<640x32xf32, #tpu.memory_space<hbm>>
      %dma_wait3A_233 = arith.constant 0 : i32
      %dma_wait3A_234 = arith.constant 0 : i32
      %dma_wait3A_235 = arith.constant 0 : i32
      %dma_wait3A_236 = tpu.memref_slice %arg4[%add3A, %dma_wait3A_233, %dma_wait3A_234, %dma_wait3A_235] : memref<32x10x640x32xf32, #tpu.memory_space<hbm>> -> memref<1x10x640x32xf32, #tpu.memory_space<hbm>>
      %dma_wait3A_237 = tpu.memref_squeeze %dma_wait3A_236 : memref<1x10x640x32xf32, #tpu.memory_space<hbm>> -> memref<10x640x32xf32, #tpu.memory_space<hbm>>
      %dma_wait3A_238 = arith.constant 0 : i32
      %dma_wait3A_239 = arith.constant 0 : i32
      %dma_wait3A_240 = tpu.memref_slice %dma_wait3A_237[%mul3A_82, %dma_wait3A_238, %dma_wait3A_239] : memref<10x640x32xf32, #tpu.memory_space<hbm>> -> memref<1x640x32xf32, #tpu.memory_space<hbm>>
      %dma_wait3A_241 = tpu.memref_squeeze %dma_wait3A_240 : memref<1x640x32xf32, #tpu.memory_space<hbm>> -> memref<640x32xf32, #tpu.memory_space<hbm>>
      tpu.wait_dma2 semaphore(%arg8 : memref<!tpu.dma_semaphore, #tpu.memory_space<semaphore_mem>>) src(%dma_wait3A_241 : memref<640x32xf32, #tpu.memory_space<hbm>>) dst(%arg6 : memref<640x32xf32, #tpu.memory_space<vmem>>)
      %dma_start3A_242 = arith.constant 0 : i32
      %dma_start3A_243 = arith.constant 0 : i32
      %dma_start3A_244 = arith.constant 0 : i32
      %dma_start3A_245 = tpu.memref_slice %arg4[%add3A, %dma_start3A_242, %dma_start3A_243, %dma_start3A_244] : memref<32x10x640x32xf32, #tpu.memory_space<hbm>> -> memref<1x10x640x32xf32, #tpu.memory_space<hbm>>
      %dma_start3A_246 = tpu.memref_squeeze %dma_start3A_245 : memref<1x10x640x32xf32, #tpu.memory_space<hbm>> -> memref<10x640x32xf32, #tpu.memory_space<hbm>>
      %dma_start3A_247 = arith.constant 0 : i32
      %dma_start3A_248 = arith.constant 0 : i32
      %dma_start3A_249 = tpu.memref_slice %dma_start3A_246[%mul3A_82, %dma_start3A_247, %dma_start3A_248] : memref<10x640x32xf32, #tpu.memory_space<hbm>> -> memref<1x640x32xf32, #tpu.memory_space<hbm>>
      %dma_start3A_250 = tpu.memref_squeeze %dma_start3A_249 : memref<1x640x32xf32, #tpu.memory_space<hbm>> -> memref<640x32xf32, #tpu.memory_space<hbm>>
      %dma_start3A_251 = arith.constant 0 : i32
      %dma_start3A_252 = arith.constant 0 : i32
      %dma_start3A_253 = arith.constant 0 : i32
      %dma_start3A_254 = tpu.memref_slice %arg4[%add3A, %dma_start3A_251, %dma_start3A_252, %dma_start3A_253] : memref<32x10x640x32xf32, #tpu.memory_space<hbm>> -> memref<1x10x640x32xf32, #tpu.memory_space<hbm>>
      %dma_start3A_255 = tpu.memref_squeeze %dma_start3A_254 : memref<1x10x640x32xf32, #tpu.memory_space<hbm>> -> memref<10x640x32xf32, #tpu.memory_space<hbm>>
      %dma_start3A_256 = arith.constant 0 : i32
      %dma_start3A_257 = arith.constant 0 : i32
      %dma_start3A_258 = tpu.memref_slice %dma_start3A_255[%mul3A_82, %dma_start3A_256, %dma_start3A_257] : memref<10x640x32xf32, #tpu.memory_space<hbm>> -> memref<1x640x32xf32, #tpu.memory_space<hbm>>
      %dma_start3A_259 = tpu.memref_squeeze %dma_start3A_258 : memref<1x640x32xf32, #tpu.memory_space<hbm>> -> memref<640x32xf32, #tpu.memory_space<hbm>>
      tpu.enqueue_dma source(%arg6 : memref<640x32xf32, #tpu.memory_space<vmem>>) target(%dma_start3A_259 : memref<640x32xf32, #tpu.memory_space<hbm>>) target_semaphore(%arg10 : memref<!tpu.dma_semaphore, #tpu.memory_space<semaphore_mem>>)
    }
    %scan3A_5 = arith.constant 5 : i32
    %dma_wait3A = arith.constant 9 : i32
    %dma_wait3A_6 = arith.constant 0 : i32
    %dma_wait3A_7 = arith.constant 0 : i32
    %dma_wait3A_8 = arith.constant 0 : i32
    %dma_wait3A_9 = tpu.memref_slice %arg4[%add3A, %dma_wait3A_6, %dma_wait3A_7, %dma_wait3A_8] : memref<32x10x640x32xf32, #tpu.memory_space<hbm>> -> memref<1x10x640x32xf32, #tpu.memory_space<hbm>>
    %dma_wait3A_10 = tpu.memref_squeeze %dma_wait3A_9 : memref<1x10x640x32xf32, #tpu.memory_space<hbm>> -> memref<10x640x32xf32, #tpu.memory_space<hbm>>
    %dma_wait3A_11 = arith.constant 0 : i32
    %dma_wait3A_12 = arith.constant 0 : i32
    %dma_wait3A_13 = tpu.memref_slice %dma_wait3A_10[%dma_wait3A, %dma_wait3A_11, %dma_wait3A_12] : memref<10x640x32xf32, #tpu.memory_space<hbm>> -> memref<1x640x32xf32, #tpu.memory_space<hbm>>
    %dma_wait3A_14 = tpu.memref_squeeze %dma_wait3A_13 : memref<1x640x32xf32, #tpu.memory_space<hbm>> -> memref<640x32xf32, #tpu.memory_space<hbm>>
    %dma_wait3A_15 = arith.constant 0 : i32
    %dma_wait3A_16 = arith.constant 0 : i32
    %dma_wait3A_17 = arith.constant 0 : i32
    %dma_wait3A_18 = tpu.memref_slice %arg4[%add3A, %dma_wait3A_15, %dma_wait3A_16, %dma_wait3A_17] : memref<32x10x640x32xf32, #tpu.memory_space<hbm>> -> memref<1x10x640x32xf32, #tpu.memory_space<hbm>>
    %dma_wait3A_19 = tpu.memref_squeeze %dma_wait3A_18 : memref<1x10x640x32xf32, #tpu.memory_space<hbm>> -> memref<10x640x32xf32, #tpu.memory_space<hbm>>
    %dma_wait3A_20 = arith.constant 0 : i32
    %dma_wait3A_21 = arith.constant 0 : i32
    %dma_wait3A_22 = tpu.memref_slice %dma_wait3A_19[%dma_wait3A, %dma_wait3A_20, %dma_wait3A_21] : memref<10x640x32xf32, #tpu.memory_space<hbm>> -> memref<1x640x32xf32, #tpu.memory_space<hbm>>
    %dma_wait3A_23 = tpu.memref_squeeze %dma_wait3A_22 : memref<1x640x32xf32, #tpu.memory_space<hbm>> -> memref<640x32xf32, #tpu.memory_space<hbm>>
    tpu.wait_dma2 semaphore(%arg9 : memref<!tpu.dma_semaphore, #tpu.memory_space<semaphore_mem>>) src(%dma_wait3A_23 : memref<640x32xf32, #tpu.memory_space<hbm>>) dst(%arg7 : memref<640x32xf32, #tpu.memory_space<vmem>>)
    %dma_start3A = arith.constant 9 : i32
    %dma_start3A_24 = arith.constant 0 : i32
    %dma_start3A_25 = arith.constant 0 : i32
    %dma_start3A_26 = arith.constant 0 : i32
    %dma_start3A_27 = tpu.memref_slice %arg4[%add3A, %dma_start3A_24, %dma_start3A_25, %dma_start3A_26] : memref<32x10x640x32xf32, #tpu.memory_space<hbm>> -> memref<1x10x640x32xf32, #tpu.memory_space<hbm>>
    %dma_start3A_28 = tpu.memref_squeeze %dma_start3A_27 : memref<1x10x640x32xf32, #tpu.memory_space<hbm>> -> memref<10x640x32xf32, #tpu.memory_space<hbm>>
    %dma_start3A_29 = arith.constant 0 : i32
    %dma_start3A_30 = arith.constant 0 : i32
    %dma_start3A_31 = tpu.memref_slice %dma_start3A_28[%dma_start3A, %dma_start3A_29, %dma_start3A_30] : memref<10x640x32xf32, #tpu.memory_space<hbm>> -> memref<1x640x32xf32, #tpu.memory_space<hbm>>
    %dma_start3A_32 = tpu.memref_squeeze %dma_start3A_31 : memref<1x640x32xf32, #tpu.memory_space<hbm>> -> memref<640x32xf32, #tpu.memory_space<hbm>>
    %dma_start3A_33 = arith.constant 0 : i32
    %dma_start3A_34 = arith.constant 0 : i32
    %dma_start3A_35 = arith.constant 0 : i32
    %dma_start3A_36 = tpu.memref_slice %arg4[%add3A, %dma_start3A_33, %dma_start3A_34, %dma_start3A_35] : memref<32x10x640x32xf32, #tpu.memory_space<hbm>> -> memref<1x10x640x32xf32, #tpu.memory_space<hbm>>
    %dma_start3A_37 = tpu.memref_squeeze %dma_start3A_36 : memref<1x10x640x32xf32, #tpu.memory_space<hbm>> -> memref<10x640x32xf32, #tpu.memory_space<hbm>>
    %dma_start3A_38 = arith.constant 0 : i32
    %dma_start3A_39 = arith.constant 0 : i32
    %dma_start3A_40 = tpu.memref_slice %dma_start3A_37[%dma_start3A, %dma_start3A_38, %dma_start3A_39] : memref<10x640x32xf32, #tpu.memory_space<hbm>> -> memref<1x640x32xf32, #tpu.memory_space<hbm>>
    %dma_start3A_41 = tpu.memref_squeeze %dma_start3A_40 : memref<1x640x32xf32, #tpu.memory_space<hbm>> -> memref<640x32xf32, #tpu.memory_space<hbm>>
    tpu.enqueue_dma source(%arg7 : memref<640x32xf32, #tpu.memory_space<vmem>>) target(%dma_start3A_41 : memref<640x32xf32, #tpu.memory_space<hbm>>) target_semaphore(%arg11 : memref<!tpu.dma_semaphore, #tpu.memory_space<semaphore_mem>>)
    %dma_wait3A_42 = arith.constant 8 : i32
    %dma_wait3A_43 = arith.constant 0 : i32
    %dma_wait3A_44 = arith.constant 0 : i32
    %dma_wait3A_45 = arith.constant 0 : i32
    %dma_wait3A_46 = tpu.memref_slice %arg4[%add3A, %dma_wait3A_43, %dma_wait3A_44, %dma_wait3A_45] : memref<32x10x640x32xf32, #tpu.memory_space<hbm>> -> memref<1x10x640x32xf32, #tpu.memory_space<hbm>>
    %dma_wait3A_47 = tpu.memref_squeeze %dma_wait3A_46 : memref<1x10x640x32xf32, #tpu.memory_space<hbm>> -> memref<10x640x32xf32, #tpu.memory_space<hbm>>
    %dma_wait3A_48 = arith.constant 0 : i32
    %dma_wait3A_49 = arith.constant 0 : i32
    %dma_wait3A_50 = tpu.memref_slice %dma_wait3A_47[%dma_wait3A_42, %dma_wait3A_48, %dma_wait3A_49] : memref<10x640x32xf32, #tpu.memory_space<hbm>> -> memref<1x640x32xf32, #tpu.memory_space<hbm>>
    %dma_wait3A_51 = tpu.memref_squeeze %dma_wait3A_50 : memref<1x640x32xf32, #tpu.memory_space<hbm>> -> memref<640x32xf32, #tpu.memory_space<hbm>>
    %dma_wait3A_52 = arith.constant 0 : i32
    %dma_wait3A_53 = arith.constant 0 : i32
    %dma_wait3A_54 = arith.constant 0 : i32
    %dma_wait3A_55 = tpu.memref_slice %arg4[%add3A, %dma_wait3A_52, %dma_wait3A_53, %dma_wait3A_54] : memref<32x10x640x32xf32, #tpu.memory_space<hbm>> -> memref<1x10x640x32xf32, #tpu.memory_space<hbm>>
    %dma_wait3A_56 = tpu.memref_squeeze %dma_wait3A_55 : memref<1x10x640x32xf32, #tpu.memory_space<hbm>> -> memref<10x640x32xf32, #tpu.memory_space<hbm>>
    %dma_wait3A_57 = arith.constant 0 : i32
    %dma_wait3A_58 = arith.constant 0 : i32
    %dma_wait3A_59 = tpu.memref_slice %dma_wait3A_56[%dma_wait3A_42, %dma_wait3A_57, %dma_wait3A_58] : memref<10x640x32xf32, #tpu.memory_space<hbm>> -> memref<1x640x32xf32, #tpu.memory_space<hbm>>
    %dma_wait3A_60 = tpu.memref_squeeze %dma_wait3A_59 : memref<1x640x32xf32, #tpu.memory_space<hbm>> -> memref<640x32xf32, #tpu.memory_space<hbm>>
    tpu.wait_dma2 semaphore(%arg10 : memref<!tpu.dma_semaphore, #tpu.memory_space<semaphore_mem>>) src(%arg6 : memref<640x32xf32, #tpu.memory_space<vmem>>) dst(%dma_wait3A_60 : memref<640x32xf32, #tpu.memory_space<hbm>>)
    %dma_wait3A_61 = arith.constant 9 : i32
    %dma_wait3A_62 = arith.constant 0 : i32
    %dma_wait3A_63 = arith.constant 0 : i32
    %dma_wait3A_64 = arith.constant 0 : i32
    %dma_wait3A_65 = tpu.memref_slice %arg4[%add3A, %dma_wait3A_62, %dma_wait3A_63, %dma_wait3A_64] : memref<32x10x640x32xf32, #tpu.memory_space<hbm>> -> memref<1x10x640x32xf32, #tpu.memory_space<hbm>>
    %dma_wait3A_66 = tpu.memref_squeeze %dma_wait3A_65 : memref<1x10x640x32xf32, #tpu.memory_space<hbm>> -> memref<10x640x32xf32, #tpu.memory_space<hbm>>
    %dma_wait3A_67 = arith.constant 0 : i32
    %dma_wait3A_68 = arith.constant 0 : i32
    %dma_wait3A_69 = tpu.memref_slice %dma_wait3A_66[%dma_wait3A_61, %dma_wait3A_67, %dma_wait3A_68] : memref<10x640x32xf32, #tpu.memory_space<hbm>> -> memref<1x640x32xf32, #tpu.memory_space<hbm>>
    %dma_wait3A_70 = tpu.memref_squeeze %dma_wait3A_69 : memref<1x640x32xf32, #tpu.memory_space<hbm>> -> memref<640x32xf32, #tpu.memory_space<hbm>>
    %dma_wait3A_71 = arith.constant 0 : i32
    %dma_wait3A_72 = arith.constant 0 : i32
    %dma_wait3A_73 = arith.constant 0 : i32
    %dma_wait3A_74 = tpu.memref_slice %arg4[%add3A, %dma_wait3A_71, %dma_wait3A_72, %dma_wait3A_73] : memref<32x10x640x32xf32, #tpu.memory_space<hbm>> -> memref<1x10x640x32xf32, #tpu.memory_space<hbm>>
    %dma_wait3A_75 = tpu.memref_squeeze %dma_wait3A_74 : memref<1x10x640x32xf32, #tpu.memory_space<hbm>> -> memref<10x640x32xf32, #tpu.memory_space<hbm>>
    %dma_wait3A_76 = arith.constant 0 : i32
    %dma_wait3A_77 = arith.constant 0 : i32
    %dma_wait3A_78 = tpu.memref_slice %dma_wait3A_75[%dma_wait3A_61, %dma_wait3A_76, %dma_wait3A_77] : memref<10x640x32xf32, #tpu.memory_space<hbm>> -> memref<1x640x32xf32, #tpu.memory_space<hbm>>
    %dma_wait3A_79 = tpu.memref_squeeze %dma_wait3A_78 : memref<1x640x32xf32, #tpu.memory_space<hbm>> -> memref<640x32xf32, #tpu.memory_space<hbm>>
    tpu.wait_dma2 semaphore(%arg11 : memref<!tpu.dma_semaphore, #tpu.memory_space<semaphore_mem>>) src(%arg7 : memref<640x32xf32, #tpu.memory_space<vmem>>) dst(%dma_wait3A_79 : memref<640x32xf32, #tpu.memory_space<hbm>>)
    return
  }
}

</mosaic_0001>

<sc_bundles>
// kernel: kernel.3.cloned.1.call-start
scs
__scs_entry_jumppad:
0x0: {  	(pc) =	sbr.rel $0x88, $3  }
0x1: {  	(tag) =	ssettag $0x0;
	lr =	simm.s32 $0x1  }
0x2: {  	[smem:$0x3F9F] =	sst lr;
	_ =	strace $0xD0000000  }
0x3: {  	_ = 	snop  }
0x4: {  	_ = 	snop  }
0x5: {  	_ = 	snop  }
0x6: {  	_ = 	snop  }
0x7: {  	_ = 	snop  }
__scs_overlays_trampoline_lowered:
0x8: {  	[smem:$0x3FAE] =	sst s0  }
0x9: {  	[smem:$0x3FAF] =	sst s1  }
0xa: {  	[smem:$0x3FB0] =	sst s2  }
0xb: {  	[smem:$0x3FB1] =	sst s3  }
0xc: {  	[smem:$0x3FB2] =	sst s4  }
0xd: {  	[smem:$0x3FB3] =	sst s5  }
0xe: {  	[smem:$0x3FB4] =	sst s6  }
0xf: {  	[smem:$0x3FB5] =	sst s7  }
0x10: {  	[smem:$0x3FB6] =	sst s8  }
0x11: {  	[smem:$0x3FB7] =	sst s9;
	s0 =	simm.s32 @!p0 $0x0  }
0x12: {  	s1 =	sld [smem:$0x3F9D];
	s0 =	simm.s32 @p0 $0x1  }
0x13: {  	[smem:$0x3FB8] =	sst s0;
	s0 =	simm.s32 @!p1 $0x0  }
0x14: {  	s2 =	sld [smem:$0x3F9C];
	s0 =	simm.s32 @p1 $0x1  }
0x15: {  	[smem:$0x3FB9] =	sst s0;
	s0 =	simm.s32 @!p2 $0x0  }
0x16: {  	s3 =	sld [smem:$0x3FDB];
	s0 =	simm.s32 @p2 $0x1  }
0x17: {  	s4 =	simm.s32 $0x1BF5;
	[smem:$0x3FBB] =	sst s0  }
0x18: {  	s0 =	sld [smem:$0x3F9E];
	_ =	swait.ge [sflag:s4], $0x0  }
0x19: {  	s7 =	sld [smem:$0x3F9F]  }
0x1a: {  	s8 =	sadd.s32 $0xFFFFE003, lr  }
0x1b: {  	s9 =	sadd.s32 $0xFFFFFEF7, lr;
	s5 =	simm.s32 $0xFFFFFFFF;
	p2 =	slt.u32 s8, $0xFFFFF086  }
0x1c: {  	p1 =	slt.u32 s9, $0xF7A;
	s5 =	simm.s32 @!p2 $0x0  }
0x1d: {  	s5 =	simm.s32 @p1 $0x1;
	p0 =	seq.s32 s7, s2  }
0x1e: {  	s7 =	smul.u32 @!p0 $0xF7A, s2;
	p2 =	seq.s32 @!p0 s5, $0x0  }
0x1f: {  	s9 =	smul.u32 $0xF7A, s1;
	s8 =	simm.s32 @!p0 $0x1BF5;
	p2 =	por !p2, p0  }
0x20: {  	[sflag:s8] =	ssyncset.s32 @!p0 $0xFFFFF086;
	s6 =	sadd.s32 @!p0 s3, s7;
	s7 =	simm.s32 @!p0 $0x108  }
0x21: {  	s3 =	sadd.s32 s3, s9;
	s6 =	sadd.s32 @!p0 $0x88, s6;
	s7 =	simm.s32 @p2 $0x1082  }
0x22: {  	[simem:s7], [sflag:s8] =	dma.local @!p0 [hbm:s6], $0xF7A  }
0x23: {  	s9 =	sor.u32 $0xD0000000, s2;
	s6 =	simm.s32 $0x108;
	_ =	swait.ge @!p0 [sflag:s8], $0x0  }
0x24: {  	s3 =	sadd.s32 $0x88, s3;
	s6 =	simm.s32 @!p1 $0x1082;
	[sflag:s4] =	ssyncset.s32 $0xFFFFF086  }
0x25: {  	[simem:s6], [sflag:s4] =	dma.local [hbm:s3], $0xF7A  }
0x26: {  	[smem:$0x3F9F] =	sst s1;
	(tag) =	ssettag s2;
	_ =	strace s9  }
0x27: {  	s1 =	sld [smem:$0x3FAF]  }
0x28: {  	s2 =	sld [smem:$0x3FB0]  }
0x29: {  	s4 =	sld [smem:$0x3FB2]  }
0x2a: {  	p0 =	seq.s32 s5, $0x0;
	s5 =	sld [smem:$0x3FB3]  }
0x2b: {  	s6 =	sld [smem:$0x3FB4]  }
0x2c: {  	s7 =	sld [smem:$0x3FB5]  }
0x2d: {  	s3 =	simm.s32 $0x108;
	s8 =	sld [smem:$0x3FB6]  }
0x2e: {  	s3 =	simm.s32 @!p0 $0x1082;
	s9 =	sld [smem:$0x3FB7]  }
0x2f: {  	lr =	sadd.s32 s0, s3;
	s0 =	sld [smem:$0x3FAE]  }
0x30: {  	s3 =	sld [smem:$0x3FB1]  }
0x31: {  	[smem:$0x3FBA] =	sst s10  }
0x32: {  	s10 =	sld [smem:$0x3FB8];
	_ =	sdelay $0x3  }
0x33: {  	p0 =	seq.s32 s10, $0x1;
	s10 =	sld [smem:$0x3FBA];
	_ =	sdelay $0x3  }
0x34: {  	[smem:$0x3FBA] =	sst s10  }
0x35: {  	s10 =	sld [smem:$0x3FB9];
	_ =	sdelay $0x3  }
0x36: {  	p1 =	seq.s32 s10, $0x1;
	s10 =	sld [smem:$0x3FBA];
	_ =	sdelay $0x3  }
0x37: {  	[smem:$0x3FBA] =	sst s10  }
0x38: {  	s10 =	sld [smem:$0x3FBB]  }
0x39: {  	_ = 	snop;
	(pc) =	sbr.ind lr, $3  }
0x3a: {  	_ = 	snop  }
0x3b: {  	_ = 	snop  }
0x3c: {  	p2 =	seq.s32 s10, $0x1;
	s10 =	sld [smem:$0x3FBA]  }
0x3d: {  	_ =	shalt  }
0x3e: {  	_ =	shalt  }
0x3f: {  	_ =	shalt  }
0x40: {  	_ =	shalt  }
0x41: {  	_ =	shalt  }
0x42: {  	_ =	shalt  }
0x43: {  	_ =	shalt  }
0x44: {  	_ =	shalt  }
0x45: {  	_ =	shalt  }
0x46: {  	_ =	shalt  }
0x47: {  	_ =	shalt  }
0x48: {  	_ =	shalt  }
0x49: {  	_ =	shalt  }
0x4a: {  	_ =	shalt  }
0x4b: {  	_ =	shalt  }
0x4c: {  	_ =	shalt  }
0x4d: {  	_ =	shalt  }
0x4e: {  	_ =	shalt  }
0x4f: {  	_ =	shalt  }
0x50: {  	_ =	shalt  }
0x51: {  	_ =	shalt  }
0x52: {  	_ =	shalt  }
0x53: {  	_ =	shalt  }
0x54: {  	_ =	shalt  }
0x55: {  	_ =	shalt  }
0x56: {  	_ =	shalt  }
0x57: {  	_ =	shalt  }
0x58: {  	_ =	shalt  }
0x59: {  	_ =	shalt  }
0x5a: {  	_ =	shalt  }
0x5b: {  	_ =	shalt  }
0x5c: {  	_ =	shalt  }
0x5d: {  	_ =	shalt  }
0x5e: {  	_ =	shalt  }
0x5f: {  	_ =	shalt  }
0x60: {  	_ =	shalt  }
0x61: {  	_ =	shalt  }
0x62: {  	_ =	shalt  }
0x63: {  	_ =	shalt  }
0x64: {  	_ =	shalt  }
0x65: {  	_ =	shalt  }
0x66: {  	_ =	shalt  }
0x67: {  	_ =	shalt  }
0x68: {  	_ =	shalt  }
0x69: {  	_ =	shalt  }
0x6a: {  	_ =	shalt  }
0x6b: {  	_ =	shalt  }
0x6c: {  	_ =	shalt  }
0x6d: {  	_ =	shalt  }
0x6e: {  	_ =	shalt  }
0x6f: {  	_ =	shalt  }
0x70: {  	_ =	shalt  }
0x71: {  	_ =	shalt  }
0x72: {  	_ =	shalt  }
0x73: {  	_ =	shalt  }
0x74: {  	_ =	shalt  }
0x75: {  	_ =	shalt  }
0x76: {  	_ =	shalt  }
0x77: {  	_ =	shalt  }
0x78: {  	_ =	shalt  }
0x79: {  	_ =	shalt  }
0x7a: {  	_ =	shalt  }
0x7b: {  	_ =	shalt  }
0x7c: {  	_ =	shalt  }
0x7d: {  	_ =	shalt  }
0x7e: {  	_ =	shalt  }
0x7f: {  	_ =	shalt  }
0x80: {  	_ =	shalt  }
0x81: {  	_ =	shalt  }
0x82: {  	_ =	shalt  }
0x83: {  	_ =	shalt  }
0x84: {  	_ =	shalt  }
0x85: {  	_ =	shalt  }
0x86: {  	_ =	shalt  }
0x87: {  	_ =	shalt  }
.Lfunc_end0:
.L_simem_size_0:
called_computation_lowered:
.L_overlay_start_0:
0x88: {  	s2 =	sld [smem:$0x3FD9]  }
0x89: {  	s3 =	sld [smem:$0x3FFE];
	_ =	sdelay $0x1  }
0x8a: {  	s1 =	srdreg.scid  }
0x8b: {  	s0 =	sand.u32 $0x1, s1  }
0x8c: {  	s17 =	sshll.u32 s0, $0xA;
	s2 =	sadd.s32 s3, s2  }
0x8d: {  	s2 =	sadd.s32 s2, s17  }
0x8e: {  	[smem:$0x3FC6] =	sst s2  }
0x8f: {  	_ = 	snop  }
0x90: {  	s2 =	sld [smem:$0x3FD0];
	(tm) =	ssettm $0x1  }
0x91: {  	s18 =	sld [smem:$0x3FFB];
	_ =	sdelay $0x3  }
0x92: {  	_ =	strace s18  }
0x93: {  	s3 =	sld [smem:$0x3FFC];
	_ =	sdelay $0x3  }
0x94: {  	_ =	strace s3  }
0x95: {  	s3 =	sld [smem:$0x3FFD];
	_ =	sdelay $0x3  }
0x96: {  	_ =	strace s3  }
0x97: {  	_ =	strace $0x8FFFFFFF  }
0x98: {  	s19 =	sld [smem:$0x3FDB];
	_ =	sdelay $0x1  }
0x99: {  	s4 =	simm.s32 $_scs_section_size  }
0x9a: {  	s5 =	simm.s32 $_size__tile_overlayer_lowered;
	s6 =	simm.s32 $_tile_overlayer_lowered  }
0x9b: {  	s22 =	simm.s32 $0x1BFF;
	s21 =	sshll.u32 s6, $0x1;
	s3 =	sadd.s32 s4, s19  }
0x9c: {  	s7 =	simm.s32 $0x0;
	s20 =	sshll.u32 s5, $0x1;
	s5 =	sadd.s32 s21, s3  }
0x9d: {  	[timem:s7], [sflag:s22] =	dma.local [hbm:s5], s20  }
0x9e: {  	_ =	swait.ge [sflag:s22], s20  }
0x9f: {  	s4 =	ssub.s32 $0x0, s20;
	[sflag:s22] =	ssyncset.done $0x0  }
0xa0: {  	[sflag:s22] =	ssyncadd.s32 s4;
	_ =	sdelay $0x1  }
0xa1: {  	s23 =	simm.s32 $0x1B8B  }
0xa2: {  	_ =	swait.ge [sflag:s23], $0x1  }
0xa3: {  	[sflag:s23] =	ssyncset.done $0x0  }
0xa4: {  	s25 =	simm.s32 $0x1B8E;
	s24 =	sld [smem:$0x3FFE];
	[sflag:s23] =	ssyncadd.s32 $0xFFFFFFFF  }
0xa5: {  	s26 =	simm.s32 $execute0_lowered;
	[smem:$0x3FD2] =	sst s25  }
0xa6: {  	s5 =	sshll.u32 s26, $0x1;
	_ =	strace $0x80000046;
	[dreg:$0x1] =	wrdreg $0xFFFFFFFF  }
0xa7: {  	s28 =	simm.s32 $_size_execute0_lowered;
	s3 =	sadd.s32 s3, s5;
	[dreg:$0x0] =	wrdreg $0x0  }
0xa8: {  	s5 =	sshll.u32 s28, $0x1;
	[dreg:$0x2] =	wrdreg s3  }
0xa9: {  	[dreg:$0x3] =	wrdreg s5  }
0xaa: {  	[dreg:$0x4] =	wrdreg $0xC0  }
0xab: {  	_ =	task [dreg:s7], $0x5FFFF  }
0xac: {  	[dreg:$0x1] =	wrdreg $0xFFFFFFFF  }
0xad: {  	[dreg:$0x0] =	wrdreg $0x60  }
0xae: {  	[dreg:$0x2] =	wrdreg s24  }
0xaf: {  	[dreg:$0x3] =	wrdreg s2  }
0xb0: {  	[dreg:$0x4] =	wrdreg $0x9  }
0xb1: {  	_ =	task.clear_ibuf [dreg:s7], $0x5FFFF;
	_ =	strace $0x90000046  }
0xb2: {  	s29 =	simm.s32 $0x9;
	_ =	strace $0x80000048  }
0xb3: {  	_ =	swait.ge [sflag:s29], $0x1  }
0xb4: {  	[sflag:s29] =	ssyncadd.s32 $0xFFFFFFFF  }
0xb5: {  	_ =	strace $0x90000048  }
0xb6: {  	_ =	sfence  }
0xb7: {  	s30 =	sld [smem:$0x0];
	_ =	sdelay $0x2  }
0xb8: {  	s31 =	sshll.u32 s1, $0xD;
	s1 =	sshrl.u32 s1, $0x2  }
0xb9: {  	s3 =	sand.u32 $0x4000, s31;
	s1 =	sadd.s32 s1, s30  }
0xba: {  	s0 =	sor.u32 s3, s0;
	s1 =	sshll.u32 s1, $0x11  }
0xbb: {  	s0 =	sor.u32 s1, s0  }
0xbc: {  	s0 =	sadd.s32 $0x8F2B, s0  }
0xbd: {  	[sflag:s0] =	ssyncadd.remote.s32 $0x1  }
0xbe: {  	_ =	sfence.sel $0xFFFF  }
0xbf: {  	[dreg:$0x0] =	wrdreg $0xFFFFFFFF;
	(pc) =	sbr.abs _section_cstart, $3  }
0xc0: {  	[dreg:$0x1] =	wrdreg $0xFFFFFFFF  }
0xc1: {  	_ =	task.clear_ibuf [dreg:s7], $0x2FFFF;
	_ =	strace $0x9FFFFFFF  }
0xc2: {  	(tm) =	ssettm $0x7FFFFFFF  }
0xc3: {  	_ =	shalt  }
tec
execute0_lowered:
.L_overlay_start_1:
0x0: {  	(tag) =	ssettag $0x1  }
0x1: {  	s3 =	rddreg [dreg:$0x0]  }
0x2: {  	s0 =	srdreg.scid;
	s23 =	rddreg [dreg:$0x2]  }
0x3: {  	s2 =	simm.s32 $0x0;
	s4 =	sand.u32 $0x1, s0;
	s0 =	rddreg [dreg:$0x1]  }
0x4: {  	s25 =	simm.s32 $0x100;
	[smem:$0x7FF] =	sst s2  }
0x5: {  	s26 =	simm.s32 $0x180;
	_ =	strace $0x80000047;
	[dreg:$0x4] =	wrdreg s25  }
0x6: {  	s28 =	simm.s32 $0x200;
	[dreg:$0x5] =	wrdreg s26  }
0x7: {  	s29 =	simm.s32 $0x280;
	[dreg:$0x6] =	wrdreg s28  }
0x8: {  	s30 =	simm.s32 $0x300;
	[dreg:$0x7] =	wrdreg s29  }
0x9: {  	s6 =	simm.s32 $0x380;
	[dreg:$0x8] =	wrdreg s30  }
0xa: {  	s7 =	simm.s32 $0x400;
	[dreg:$0x9] =	wrdreg s6  }
0xb: {  	s8 =	simm.s32 $0x480;
	[dreg:$0xa] =	wrdreg s7  }
0xc: {  	s9 =	simm.s32 $0x500;
	[dreg:$0xb] =	wrdreg s8  }
0xd: {  	s10 =	simm.s32 $0x580;
	[dreg:$0xc] =	wrdreg s9  }
0xe: {  	s11 =	simm.s32 $0x600;
	[dreg:$0xd] =	wrdreg s10  }
0xf: {  	s12 =	simm.s32 $0x680;
	[dreg:$0xe] =	wrdreg s11  }
0x10: {  	s13 =	simm.s32 $0x700;
	[dreg:$0xf] =	wrdreg s12  }
0x11: {  	s14 =	simm.s32 $0x780;
	[dreg:$0x10] =	wrdreg s13  }
0x12: {  	s15 =	simm.s32 $0x800;
	[dreg:$0x11] =	wrdreg s14  }
0x13: {  	s16 =	simm.s32 $0x880;
	[dreg:$0x12] =	wrdreg s15  }
0x14: {  	s17 =	simm.s32 $0x900;
	[dreg:$0x13] =	wrdreg s16  }
0x15: {  	s18 =	simm.s32 $0x980;
	[dreg:$0x14] =	wrdreg s17  }
0x16: {  	s19 =	simm.s32 $0xA00;
	[dreg:$0x15] =	wrdreg s18  }
0x17: {  	s21 =	stileid.u32;
	s20 =	simm.s32 $0xA80;
	[dreg:$0x16] =	wrdreg s19  }
0x18: {  	s22 =	simm.s32 $0xB00;
	s24 =	sshll.u32 s21, $0x1;
	[dreg:$0x17] =	wrdreg s20  }
0x19: {  	s1 =	sor.u32 s4, s24;
	[dreg:$0x18] =	wrdreg s22;
	s24 =	simm.s32 $0xB80  }
0x1a: {  	s25 =	simm.s32 $0xC00;
	[dreg:$0x19] =	wrdreg s24  }
0x1b: {  	s26 =	simm.s32 $0xC80;
	[dreg:$0x1a] =	wrdreg s25  }
0x1c: {  	s28 =	simm.s32 $0xD00;
	[dreg:$0x1b] =	wrdreg s26  }
0x1d: {  	s29 =	simm.s32 $0xD80;
	[dreg:$0x1c] =	wrdreg s28  }
0x1e: {  	s30 =	simm.s32 $0xE00;
	[dreg:$0x1d] =	wrdreg s29  }
0x1f: {  	s7 =	simm.s32 $0xE80;
	[dreg:$0x1e] =	wrdreg s30  }
0x20: {  	s8 =	simm.s32 $0xF00;
	[dreg:$0x1f] =	wrdreg s7  }
0x21: {  	s31 =	simm.s32 $0x1800;
	s9 =	simm.s32 $0xF80;
	[smem:$0x7EC] =	sst s8  }
0x22: {  	p0 =	por $0x0, $0x0;
	s10 =	simm.s32 $0x1000;
	[smem:$0x7ED] =	sst s9  }
0x23: {  	s4 =	ssub.s32 $0x2, s4;
	s11 =	simm.s32 $0x1080;
	[smem:$0x7EE] =	sst s10  }
0x24: {  	s22 =	simm.s32 $0x5;
	s12 =	simm.s32 $0x1100;
	[smem:$0x7EF] =	sst s11  }
0x25: {  	s13 =	simm.s32 $0x1180;
	s14 =	simm.s32 $0x1200;
	[smem:$0x7F0] =	sst s12  }
0x26: {  	s15 =	simm.s32 $0x1280;
	s16 =	simm.s32 $0x1300;
	[smem:$0x7F1] =	sst s13  }
0x27: {  	s17 =	simm.s32 $0x1380;
	s19 =	simm.s32 $0x5900;
	[smem:$0x7F2] =	sst s14  }
0x28: {  	s18 =	simm.s32 $0x1400;
	s20 =	simm.s32 $0x1480;
	[smem:$0x7F3] =	sst s15  }
0x29: {  	s5 =	smul.u32 $0x320, s1;
	s6 =	sshrl.u32 s4, $0x1;
	[smem:$0x7F4] =	sst s16  }
0x2a: {  	s1 =	smul.u32 $0x6400, s1;
	s12 =	simm.s32 $0x2900;
	[smem:$0x7F5] =	sst s17  }
0x2b: {  	s13 =	simm.s32 $0x3900;
	s15 =	simm.s32 $0x4900;
	[smem:$0x7F6] =	sst s18  }
0x2c: {  	s7 =	simm.s32 $0x6900;
	s9 =	simm.s32 $0x7900;
	[smem:$0x7F7] =	sst s20  }
0x2d: {  	s24 =	simm.s32 $0x1500;
	s11 =	simm.s32 $0x8900;
	s25 =	simm.s32 $0x1580  }
0x2e: {  	s14 =	simm.s32 $0x9900;
	s26 =	simm.s32 $0x1600;
	s17 =	simm.s32 $0xA900  }
0x2f: {  	s28 =	simm.s32 $0x1680;
	s16 =	simm.s32 $0x1;
	s29 =	simm.s32 $0x1700  }
0x30: {  	s8 =	simm.s32 $0x3;
	s6 =	ssub.s32 s4, s6;
	[smem:$0x7F8] =	sst s24  }
0x31: {  	[smem:$0x7F9] =	sst s25;
	s4 =	sadd.s32 s0, s1;
	s1 =	smax.u32 s6, $0x1  }
0x32: {  	s30 =	simm.s32 $0x1780;
	[smem:$0x7FA] =	sst s26;
	p1 =	sne.s32 s1, $0x1  }
.Ltmp0:
0x33: {  	s18 =	simm.s32 $0x2;
	[smem:$0x7FB] =	sst s28;
	(pc) =	sbr.rel @!p1 .LBB2_5-.Ltmp0, $4  }
0x34: {  	s10 =	simm.s32 $0x4;
	[smem:$0x7FC] =	sst s29;
	s5 =	sadd.s32 s5, s3  }
0x35: {  	[smem:$0x7FD] =	sst s30;
	s24 =	simm.s32 $0x1880;
	s5 =	sadd.s32 $0x600, s5  }
0x36: {  	s3 =	sadd.s32 $0xF42A00, s3;
	s6 =	simm.s32 $0x80;
	[dreg:$0x3] =	wrdreg s5  }
0x37: {  	s0 =	sadd.s32 $0xFFFFFFFF, s1;
	s5 =	simm.s32 $0x1900;
	s20 =	rddreg [dreg:$0x3]  }
0x38: {  	[tilespmem:s2], [sflag:$0x5] =	stream.linear.gather [hbm4b:s20+s2], $0x1900, $0x38;
	[tilespmem:$0xB900] =	vst v63  }
0x39: {  	_ =	swait.ge [sflag:s22], $0x1900  }
0x3a: {  	[sflag:s22] =	ssyncset.done $0x0  }
0x3b: {  	[sflag:s22] =	ssyncadd.s32 $0xFFFFE700  }
0x3c: {  	[tilespmem:s5], [sflag:$0x1] =	stream.indirect.gather [hbm4b:s3+s6], $0x20, s2, s6, $0xb8;
	[tilespmem:$0xB900] =	vst v63  }
0x3d: {  	_ = 	snop  }
0x3e: {  	[tilespmem:s12], [sflag:$0x1] =	stream.indirect.gather [hbm4b:s3+s6], $0x20, s6, s6, $0xb8;
	[tilespmem:$0xB900] =	vst v63  }
0x3f: {  	s1 =	rddreg [dreg:$0x4]  }
0x40: {  	[tilespmem:s13], [sflag:$0x1] =	stream.indirect.gather [hbm4b:s3+s6], $0x20, s1, s6, $0xb8;
	[tilespmem:$0xB900] =	vst v63  }
0x41: {  	s21 =	rddreg [dreg:$0x5]  }
0x42: {  	[tilespmem:s15], [sflag:$0x1] =	stream.indirect.gather [hbm4b:s3+s6], $0x20, s21, s6, $0xb8;
	[tilespmem:$0xB900] =	vst v63  }
0x43: {  	s23 =	rddreg [dreg:$0x6]  }
0x44: {  	[tilespmem:s19], [sflag:$0x1] =	stream.indirect.gather [hbm4b:s3+s6], $0x20, s23, s6, $0xb8;
	[tilespmem:$0xB900] =	vst v63  }
0x45: {  	s24 =	rddreg [dreg:$0x7]  }
0x46: {  	[tilespmem:s7], [sflag:$0x2] =	stream.indirect.gather [hbm4b:s3+s6], $0x20, s24, s6, $0xb8;
	[tilespmem:$0xB900] =	vst v63  }
0x47: {  	s25 =	rddreg [dreg:$0x8]  }
0x48: {  	[tilespmem:s9], [sflag:$0x2] =	stream.indirect.gather [hbm4b:s3+s6], $0x20, s25, s6, $0xb8;
	[tilespmem:$0xB900] =	vst v63  }
0x49: {  	s26 =	rddreg [dreg:$0x9]  }
0x4a: {  	[tilespmem:s11], [sflag:$0x2] =	stream.indirect.gather [hbm4b:s3+s6], $0x20, s26, s6, $0xb8;
	[tilespmem:$0xB900] =	vst v63  }
0x4b: {  	s21 =	rddreg [dreg:$0xa]  }
0x4c: {  	[tilespmem:s14], [sflag:$0x2] =	stream.indirect.gather [hbm4b:s3+s6], $0x20, s21, s6, $0xb8;
	[tilespmem:$0xB900] =	vst v63  }
0x4d: {  	s23 =	rddreg [dreg:$0xb]  }
0x4e: {  	[tilespmem:s17], [sflag:$0x2] =	stream.indirect.gather [hbm4b:s3+s6], $0x20, s23, s6, $0xb8;
	[tilespmem:$0xB900] =	vst v63  }
0x4f: {  	_ =	swait.ge [sflag:s16], $0x5000  }
0x50: {  	[sflag:s16] =	ssyncset.done $0x0  }
0x51: {  	[sflag:s16] =	ssyncadd.s32 $0xFFFFB000  }
0x52: {  	[hbm4b:s4+s2] =	stream.linear.scatter [tilespmem:s5], [sflag:$0x3], $0x5000, $0x38;
	[tilespmem:$0xB900] =	vst v63  }
0x53: {  	_ =	swait.ge [sflag:s8], $0x5000  }
0x54: {  	[sflag:s8] =	ssyncset.done $0x0  }
0x55: {  	s24 =	rddreg [dreg:$0xc];
	[sflag:s8] =	ssyncadd.s32 $0xFFFFB000  }
0x56: {  	[tilespmem:s5], [sflag:$0x1] =	stream.indirect.gather [hbm4b:s3+s6], $0x20, s24, s6, $0xb8;
	[tilespmem:$0xB900] =	vst v63  }
0x57: {  	s25 =	rddreg [dreg:$0xd]  }
0x58: {  	[tilespmem:s12], [sflag:$0x1] =	stream.indirect.gather [hbm4b:s3+s6], $0x20, s25, s6, $0xb8;
	[tilespmem:$0xB900] =	vst v63  }
0x59: {  	s26 =	rddreg [dreg:$0xe]  }
0x5a: {  	[tilespmem:s13], [sflag:$0x1] =	stream.indirect.gather [hbm4b:s3+s6], $0x20, s26, s6, $0xb8;
	[tilespmem:$0xB900] =	vst v63  }
0x5b: {  	s21 =	rddreg [dreg:$0xf]  }
0x5c: {  	[tilespmem:s15], [sflag:$0x1] =	stream.indirect.gather [hbm4b:s3+s6], $0x20, s21, s6, $0xb8;
	[tilespmem:$0xB900] =	vst v63  }
0x5d: {  	s23 =	rddreg [dreg:$0x10]  }
0x5e: {  	[tilespmem:s19], [sflag:$0x1] =	stream.indirect.gather [hbm4b:s3+s6], $0x20, s23, s6, $0xb8;
	[tilespmem:$0xB900] =	vst v63  }
0x5f: {  	_ =	swait.ge [sflag:s18], $0x5000  }
0x60: {  	[sflag:s18] =	ssyncset.done $0x0  }
0x61: {  	s23 =	sadd.s32 $0xA00, s4;
	[sflag:s18] =	ssyncadd.s32 $0xFFFFB000  }
0x62: {  	[hbm4b:s23+s2] =	stream.linear.scatter [tilespmem:s7], [sflag:$0x4], $0x5000, $0x38;
	[tilespmem:$0xB900] =	vst v63  }
0x63: {  	_ =	swait.ge [sflag:s10], $0x5000  }
0x64: {  	[sflag:s10] =	ssyncset.done $0x0  }
0x65: {  	s24 =	rddreg [dreg:$0x11];
	[sflag:s10] =	ssyncadd.s32 $0xFFFFB000  }
0x66: {  	[tilespmem:s7], [sflag:$0x2] =	stream.indirect.gather [hbm4b:s3+s6], $0x20, s24, s6, $0xb8;
	[tilespmem:$0xB900] =	vst v63  }
0x67: {  	s25 =	rddreg [dreg:$0x12]  }
0x68: {  	[tilespmem:s9], [sflag:$0x2] =	stream.indirect.gather [hbm4b:s3+s6], $0x20, s25, s6, $0xb8;
	[tilespmem:$0xB900] =	vst v63  }
0x69: {  	s26 =	rddreg [dreg:$0x13]  }
0x6a: {  	[tilespmem:s11], [sflag:$0x2] =	stream.indirect.gather [hbm4b:s3+s6], $0x20, s26, s6, $0xb8;
	[tilespmem:$0xB900] =	vst v63  }
0x6b: {  	s21 =	rddreg [dreg:$0x14]  }
0x6c: {  	[tilespmem:s14], [sflag:$0x2] =	stream.indirect.gather [hbm4b:s3+s6], $0x20, s21, s6, $0xb8;
	[tilespmem:$0xB900] =	vst v63  }
0x6d: {  	s24 =	rddreg [dreg:$0x15]  }
0x6e: {  	[tilespmem:s17], [sflag:$0x2] =	stream.indirect.gather [hbm4b:s3+s6], $0x20, s24, s6, $0xb8;
	[tilespmem:$0xB900] =	vst v63  }
0x6f: {  	_ =	swait.ge [sflag:s16], $0x5000  }
0x70: {  	[sflag:s16] =	ssyncset.done $0x0  }
0x71: {  	s24 =	sadd.s32 $0x1400, s4;
	[sflag:s16] =	ssyncadd.s32 $0xFFFFB000  }
0x72: {  	[hbm4b:s24+s2] =	stream.linear.scatter [tilespmem:s5], [sflag:$0x3], $0x5000, $0x38;
	[tilespmem:$0xB900] =	vst v63  }
0x73: {  	_ =	swait.ge [sflag:s8], $0x5000  }
0x74: {  	[sflag:s8] =	ssyncset.done $0x0  }
0x75: {  	s25 =	rddreg [dreg:$0x16];
	[sflag:s8] =	ssyncadd.s32 $0xFFFFB000  }
0x76: {  	[tilespmem:s5], [sflag:$0x1] =	stream.indirect.gather [hbm4b:s3+s6], $0x20, s25, s6, $0xb8;
	[tilespmem:$0xB900] =	vst v63  }
0x77: {  	s26 =	rddreg [dreg:$0x17]  }
0x78: {  	[tilespmem:s12], [sflag:$0x1] =	stream.indirect.gather [hbm4b:s3+s6], $0x20, s26, s6, $0xb8;
	[tilespmem:$0xB900] =	vst v63  }
0x79: {  	s25 =	rddreg [dreg:$0x18]  }
0x7a: {  	[tilespmem:s13], [sflag:$0x1] =	stream.indirect.gather [hbm4b:s3+s6], $0x20, s25, s6, $0xb8;
	[tilespmem:$0xB900] =	vst v63  }
0x7b: {  	s26 =	rddreg [dreg:$0x19]  }
0x7c: {  	[tilespmem:s15], [sflag:$0x1] =	stream.indirect.gather [hbm4b:s3+s6], $0x20, s26, s6, $0xb8;
	[tilespmem:$0xB900] =	vst v63  }
0x7d: {  	s25 =	rddreg [dreg:$0x1a]  }
0x7e: {  	[tilespmem:s19], [sflag:$0x1] =	stream.indirect.gather [hbm4b:s3+s6], $0x20, s25, s6, $0xb8;
	[tilespmem:$0xB900] =	vst v63  }
0x7f: {  	_ =	swait.ge [sflag:s18], $0x5000  }
0x80: {  	[sflag:s18] =	ssyncset.done $0x0  }
0x81: {  	s25 =	sadd.s32 $0x1E00, s4;
	[sflag:s18] =	ssyncadd.s32 $0xFFFFB000  }
0x82: {  	[hbm4b:s25+s2] =	stream.linear.scatter [tilespmem:s7], [sflag:$0x4], $0x5000, $0x38;
	[tilespmem:$0xB900] =	vst v63  }
0x83: {  	_ =	swait.ge [sflag:s10], $0x5000  }
0x84: {  	[sflag:s10] =	ssyncset.done $0x0  }
0x85: {  	s26 =	rddreg [dreg:$0x1b];
	[sflag:s10] =	ssyncadd.s32 $0xFFFFB000  }
0x86: {  	[tilespmem:s7], [sflag:$0x2] =	stream.indirect.gather [hbm4b:s3+s6], $0x20, s26, s6, $0xb8;
	[tilespmem:$0xB900] =	vst v63  }
0x87: {  	s20 =	rddreg [dreg:$0x1c]  }
0x88: {  	[tilespmem:s9], [sflag:$0x2] =	stream.indirect.gather [hbm4b:s3+s6], $0x20, s20, s6, $0xb8;
	[tilespmem:$0xB900] =	vst v63  }
0x89: {  	s26 =	rddreg [dreg:$0x1d]  }
0x8a: {  	[tilespmem:s11], [sflag:$0x2] =	stream.indirect.gather [hbm4b:s3+s6], $0x20, s26, s6, $0xb8;
	[tilespmem:$0xB900] =	vst v63  }
0x8b: {  	s20 =	rddreg [dreg:$0x1e]  }
0x8c: {  	[tilespmem:s14], [sflag:$0x2] =	stream.indirect.gather [hbm4b:s3+s6], $0x20, s20, s6, $0xb8;
	[tilespmem:$0xB900] =	vst v63  }
0x8d: {  	s26 =	rddreg [dreg:$0x1f]  }
0x8e: {  	[tilespmem:s17], [sflag:$0x2] =	stream.indirect.gather [hbm4b:s3+s6], $0x20, s26, s6, $0xb8;
	[tilespmem:$0xB900] =	vst v63  }
0x8f: {  	_ =	swait.ge [sflag:s16], $0x5000  }
0x90: {  	[sflag:s16] =	ssyncset.done $0x0  }
0x91: {  	s26 =	sadd.s32 $0x2800, s4;
	[sflag:s16] =	ssyncadd.s32 $0xFFFFB000  }
0x92: {  	[hbm4b:s26+s2] =	stream.linear.scatter [tilespmem:s5], [sflag:$0x3], $0x5000, $0x38;
	[tilespmem:$0xB900] =	vst v63  }
0x93: {  	_ =	swait.ge [sflag:s8], $0x5000  }
0x94: {  	s1 =	sld [smem:$0x7EC]  }
0x95: {  	[sflag:s8] =	ssyncset.done $0x0  }
0x96: {  	s20 =	sld [smem:$0x7ED];
	[sflag:s8] =	ssyncadd.s32 $0xFFFFB000  }
0x97: {  	[tilespmem:s5], [sflag:$0x1] =	stream.indirect.gather [hbm4b:s3+s6], $0x20, s1, s6, $0xb8;
	[tilespmem:$0xB900] =	vst v63  }
0x98: {  	s1 =	sld [smem:$0x7EE]  }
0x99: {  	[tilespmem:s12], [sflag:$0x1] =	stream.indirect.gather [hbm4b:s3+s6], $0x20, s20, s6, $0xb8;
	[tilespmem:$0xB900] =	vst v63  }
0x9a: {  	s20 =	sld [smem:$0x7EF]  }
0x9b: {  	[tilespmem:s13], [sflag:$0x1] =	stream.indirect.gather [hbm4b:s3+s6], $0x20, s1, s6, $0xb8;
	[tilespmem:$0xB900] =	vst v63  }
0x9c: {  	s1 =	sld [smem:$0x7F0]  }
0x9d: {  	[tilespmem:s15], [sflag:$0x1] =	stream.indirect.gather [hbm4b:s3+s6], $0x20, s20, s6, $0xb8;
	[tilespmem:$0xB900] =	vst v63  }
0x9e: {  	_ = 	snop  }
0x9f: {  	[tilespmem:s19], [sflag:$0x1] =	stream.indirect.gather [hbm4b:s3+s6], $0x20, s1, s6, $0xb8;
	[tilespmem:$0xB900] =	vst v63  }
0xa0: {  	_ =	swait.ge [sflag:s18], $0x5000  }
0xa1: {  	[sflag:s18] =	ssyncset.done $0x0  }
0xa2: {  	s28 =	sadd.s32 $0x3200, s4;
	[sflag:s18] =	ssyncadd.s32 $0xFFFFB000  }
0xa3: {  	[hbm4b:s28+s2] =	stream.linear.scatter [tilespmem:s7], [sflag:$0x4], $0x5000, $0x38;
	[tilespmem:$0xB900] =	vst v63  }
0xa4: {  	_ =	swait.ge [sflag:s10], $0x5000  }
0xa5: {  	s1 =	sld [smem:$0x7F1]  }
0xa6: {  	[sflag:s10] =	ssyncset.done $0x0  }
0xa7: {  	s20 =	sld [smem:$0x7F2];
	[sflag:s10] =	ssyncadd.s32 $0xFFFFB000  }
0xa8: {  	[tilespmem:s7], [sflag:$0x2] =	stream.indirect.gather [hbm4b:s3+s6], $0x20, s1, s6, $0xb8;
	[tilespmem:$0xB900] =	vst v63  }
0xa9: {  	s1 =	sld [smem:$0x7F3]  }
0xaa: {  	[tilespmem:s9], [sflag:$0x2] =	stream.indirect.gather [hbm4b:s3+s6], $0x20, s20, s6, $0xb8;
	[tilespmem:$0xB900] =	vst v63  }
0xab: {  	s20 =	sld [smem:$0x7F4]  }
0xac: {  	[tilespmem:s11], [sflag:$0x2] =	stream.indirect.gather [hbm4b:s3+s6], $0x20, s1, s6, $0xb8;
	[tilespmem:$0xB900] =	vst v63  }
0xad: {  	s1 =	sld [smem:$0x7F5]  }
0xae: {  	[tilespmem:s14], [sflag:$0x2] =	stream.indirect.gather [hbm4b:s3+s6], $0x20, s20, s6, $0xb8;
	[tilespmem:$0xB900] =	vst v63  }
0xaf: {  	_ = 	snop  }
0xb0: {  	[tilespmem:s17], [sflag:$0x2] =	stream.indirect.gather [hbm4b:s3+s6], $0x20, s1, s6, $0xb8;
	[tilespmem:$0xB900] =	vst v63  }
0xb1: {  	_ =	swait.ge [sflag:s16], $0x5000  }
0xb2: {  	[sflag:s16] =	ssyncset.done $0x0  }
0xb3: {  	s29 =	sadd.s32 $0x3C00, s4;
	[sflag:s16] =	ssyncadd.s32 $0xFFFFB000  }
0xb4: {  	[hbm4b:s29+s2] =	stream.linear.scatter [tilespmem:s5], [sflag:$0x3], $0x5000, $0x38;
	[tilespmem:$0xB900] =	vst v63  }
0xb5: {  	_ =	swait.ge [sflag:s8], $0x5000  }
0xb6: {  	s1 =	sld [smem:$0x7F6]  }
0xb7: {  	[sflag:s8] =	ssyncset.done $0x0  }
0xb8: {  	s20 =	sld [smem:$0x7F7];
	[sflag:s8] =	ssyncadd.s32 $0xFFFFB000  }
0xb9: {  	[tilespmem:s5], [sflag:$0x1] =	stream.indirect.gather [hbm4b:s3+s6], $0x20, s1, s6, $0xb8;
	[tilespmem:$0xB900] =	vst v63  }
0xba: {  	s1 =	sld [smem:$0x7F8]  }
0xbb: {  	[tilespmem:s12], [sflag:$0x1] =	stream.indirect.gather [hbm4b:s3+s6], $0x20, s20, s6, $0xb8;
	[tilespmem:$0xB900] =	vst v63  }
0xbc: {  	s20 =	sld [smem:$0x7F9]  }
0xbd: {  	[tilespmem:s13], [sflag:$0x1] =	stream.indirect.gather [hbm4b:s3+s6], $0x20, s1, s6, $0xb8;
	[tilespmem:$0xB900] =	vst v63  }
0xbe: {  	s1 =	sld [smem:$0x7FA]  }
0xbf: {  	[tilespmem:s15], [sflag:$0x1] =	stream.indirect.gather [hbm4b:s3+s6], $0x20, s20, s6, $0xb8;
	[tilespmem:$0xB900] =	vst v63  }
0xc0: {  	_ = 	snop  }
0xc1: {  	[tilespmem:s19], [sflag:$0x1] =	stream.indirect.gather [hbm4b:s3+s6], $0x20, s1, s6, $0xb8;
	[tilespmem:$0xB900] =	vst v63  }
0xc2: {  	_ =	swait.ge [sflag:s18], $0x5000  }
0xc3: {  	[sflag:s18] =	ssyncset.done $0x0  }
0xc4: {  	s30 =	sadd.s32 $0x4600, s4;
	[sflag:s18] =	ssyncadd.s32 $0xFFFFB000  }
0xc5: {  	[hbm4b:s30+s2] =	stream.linear.scatter [tilespmem:s7], [sflag:$0x4], $0x5000, $0x38;
	[tilespmem:$0xB900] =	vst v63  }
0xc6: {  	_ =	swait.ge [sflag:s10], $0x5000  }
0xc7: {  	s1 =	sld [smem:$0x7FB]  }
0xc8: {  	[sflag:s10] =	ssyncset.done $0x0  }
0xc9: {  	s20 =	sld [smem:$0x7FC];
	[sflag:s10] =	ssyncadd.s32 $0xFFFFB000  }
0xca: {  	[tilespmem:s7], [sflag:$0x2] =	stream.indirect.gather [hbm4b:s3+s6], $0x20, s1, s6, $0xb8;
	[tilespmem:$0xB900] =	vst v63  }
0xcb: {  	s1 =	sld [smem:$0x7FD]  }
0xcc: {  	[tilespmem:s9], [sflag:$0x2] =	stream.indirect.gather [hbm4b:s3+s6], $0x20, s20, s6, $0xb8;
	[tilespmem:$0xB900] =	vst v63  }
0xcd: {  	_ = 	snop  }
0xce: {  	[tilespmem:s11], [sflag:$0x2] =	stream.indirect.gather [hbm4b:s3+s6], $0x20, s1, s6, $0xb8;
	[tilespmem:$0xB900] =	vst v63  }
0xcf: {  	_ = 	snop  }
0xd0: {  	[tilespmem:s14], [sflag:$0x2] =	stream.indirect.gather [hbm4b:s3+s6], $0x20, s31, s6, $0xb8;
	[tilespmem:$0xB900] =	vst v63  }
0xd1: {  	s21 =	simm.s32 $0x1880  }
0xd2: {  	[tilespmem:s17], [sflag:$0x2] =	stream.indirect.gather [hbm4b:s3+s6], $0x20, s21, s6, $0xb8;
	[tilespmem:$0xB900] =	vst v63  }
0xd3: {  	_ =	swait.ge [sflag:s16], $0x5000  }
0xd4: {  	[sflag:s16] =	ssyncset.done $0x0  }
0xd5: {  	s31 =	sadd.s32 $0x5000, s4;
	[sflag:s16] =	ssyncadd.s32 $0xFFFFB000  }
0xd6: {  	[hbm4b:s31+s2] =	stream.linear.scatter [tilespmem:s5], [sflag:$0x3], $0x5000, $0x38;
	[tilespmem:$0xB900] =	vst v63  }
0xd7: {  	_ =	swait.ge [sflag:s18], $0x5000  }
0xd8: {  	[sflag:s18] =	ssyncset.done $0x0  }
0xd9: {  	p1 =	sne.s32 s0, $0x1;
	s1 =	sadd.s32 $0x5A00, s4;
	[sflag:s18] =	ssyncadd.s32 $0xFFFFB000  }
0xda: {  	[hbm4b:s1+s2] =	stream.linear.scatter [tilespmem:s7], [sflag:$0x4], $0x5000, $0x38;
	[tilespmem:$0xB900] =	vst v63  }
.Ltmp1:
0xdb: {  	_ =	swait.ge [sflag:s8], $0x5000;
	(pc) =	sbr.rel @!p1 .LBB2_2-.Ltmp1, $4  }
0xdc: {  	[sflag:s8] =	ssyncset.done $0x0  }
0xdd: {  	[sflag:s8] =	ssyncadd.s32 $0xFFFFB000  }
0xde: {  	s0 =	sadd.s32 $0xFFFFFFFF, s0;
	_ =	swait.ge [sflag:s10], $0x5000  }
0xdf: {  	p0 =	por $0x1, $0x1;
	s20 =	rddreg [dreg:$0x3];
	[sflag:s10] =	ssyncset.done $0x0  }
.LBB2_3:
0xe0: {  	[sflag:s10] =	ssyncadd.s32 $0xFFFFB000  }
0xe1: {  	[tilespmem:s2], [sflag:$0x5] =	stream.linear.gather [hbm4b:s20+s2], $0x1900, $0x38;
	[tilespmem:$0xB900] =	vst v63  }
0xe2: {  	_ =	swait.ge [sflag:s22], $0x1900  }
0xe3: {  	[sflag:s22] =	ssyncset.done $0x0  }
0xe4: {  	[sflag:s22] =	ssyncadd.s32 $0xFFFFE700  }
0xe5: {  	[tilespmem:s5], [sflag:$0x1] =	stream.indirect.gather [hbm4b:s3+s6], $0x20, s2, s6, $0xb8;
	[tilespmem:$0xB900] =	vst v63  }
0xe6: {  	_ = 	snop  }
0xe7: {  	[tilespmem:s12], [sflag:$0x1] =	stream.indirect.gather [hbm4b:s3+s6], $0x20, s6, s6, $0xb8;
	[tilespmem:$0xB900] =	vst v63  }
0xe8: {  	s20 =	rddreg [dreg:$0x4]  }
0xe9: {  	[tilespmem:s13], [sflag:$0x1] =	stream.indirect.gather [hbm4b:s3+s6], $0x20, s20, s6, $0xb8;
	[tilespmem:$0xB900] =	vst v63  }
0xea: {  	s21 =	rddreg [dreg:$0x5]  }
0xeb: {  	[tilespmem:s15], [sflag:$0x1] =	stream.indirect.gather [hbm4b:s3+s6], $0x20, s21, s6, $0xb8;
	[tilespmem:$0xB900] =	vst v63  }
0xec: {  	s20 =	rddreg [dreg:$0x6]  }
0xed: {  	[tilespmem:s19], [sflag:$0x1] =	stream.indirect.gather [hbm4b:s3+s6], $0x20, s20, s6, $0xb8;
	[tilespmem:$0xB900] =	vst v63  }
0xee: {  	s21 =	rddreg [dreg:$0x7]  }
0xef: {  	[tilespmem:s7], [sflag:$0x2] =	stream.indirect.gather [hbm4b:s3+s6], $0x20, s21, s6, $0xb8;
	[tilespmem:$0xB900] =	vst v63  }
0xf0: {  	s20 =	rddreg [dreg:$0x8]  }
0xf1: {  	[tilespmem:s9], [sflag:$0x2] =	stream.indirect.gather [hbm4b:s3+s6], $0x20, s20, s6, $0xb8;
	[tilespmem:$0xB900] =	vst v63  }
0xf2: {  	s21 =	rddreg [dreg:$0x9]  }
0xf3: {  	[tilespmem:s11], [sflag:$0x2] =	stream.indirect.gather [hbm4b:s3+s6], $0x20, s21, s6, $0xb8;
	[tilespmem:$0xB900] =	vst v63  }
0xf4: {  	s20 =	rddreg [dreg:$0xa]  }
0xf5: {  	[tilespmem:s14], [sflag:$0x2] =	stream.indirect.gather [hbm4b:s3+s6], $0x20, s20, s6, $0xb8;
	[tilespmem:$0xB900] =	vst v63  }
0xf6: {  	s21 =	rddreg [dreg:$0xb]  }
0xf7: {  	[tilespmem:s17], [sflag:$0x2] =	stream.indirect.gather [hbm4b:s3+s6], $0x20, s21, s6, $0xb8;
	[tilespmem:$0xB900] =	vst v63  }
0xf8: {  	_ =	swait.ge [sflag:s16], $0x5000  }
0xf9: {  	[sflag:s16] =	ssyncset.done $0x0  }
0xfa: {  	[sflag:s16] =	ssyncadd.s32 $0xFFFFB000  }
0xfb: {  	[hbm4b:s4+s2] =	stream.linear.scatter [tilespmem:s5], [sflag:$0x3], $0x5000, $0x38;
	[tilespmem:$0xB900] =	vst v63  }
0xfc: {  	_ =	swait.ge [sflag:s8], $0x5000  }
0xfd: {  	[sflag:s8] =	ssyncset.done $0x0  }
0xfe: {  	s20 =	rddreg [dreg:$0xc];
	[sflag:s8] =	ssyncadd.s32 $0xFFFFB000  }
0xff: {  	[tilespmem:s5], [sflag:$0x1] =	stream.indirect.gather [hbm4b:s3+s6], $0x20, s20, s6, $0xb8;
	[tilespmem:$0xB900] =	vst v63  }
0x100: {  	s21 =	rddreg [dreg:$0xd]  }
0x101: {  	[tilespmem:s12], [sflag:$0x1] =	stream.indirect.gather [hbm4b:s3+s6], $0x20, s21, s6, $0xb8;
	[tilespmem:$0xB900] =	vst v63  }
0x102: {  	s20 =	rddreg [dreg:$0xe]  }
0x103: {  	[tilespmem:s13], [sflag:$0x1] =	stream.indirect.gather [hbm4b:s3+s6], $0x20, s20, s6, $0xb8;
	[tilespmem:$0xB900] =	vst v63  }
0x104: {  	s21 =	rddreg [dreg:$0xf]  }
0x105: {  	[tilespmem:s15], [sflag:$0x1] =	stream.indirect.gather [hbm4b:s3+s6], $0x20, s21, s6, $0xb8;
	[tilespmem:$0xB900] =	vst v63  }
0x106: {  	s20 =	rddreg [dreg:$0x10]  }
0x107: {  	[tilespmem:s19], [sflag:$0x1] =	stream.indirect.gather [hbm4b:s3+s6], $0x20, s20, s6, $0xb8;
	[tilespmem:$0xB900] =	vst v63  }
0x108: {  	_ =	swait.ge [sflag:s18], $0x5000  }
0x109: {  	[sflag:s18] =	ssyncset.done $0x0  }
0x10a: {  	[sflag:s18] =	ssyncadd.s32 $0xFFFFB000  }
0x10b: {  	[hbm4b:s23+s2] =	stream.linear.scatter [tilespmem:s7], [sflag:$0x4], $0x5000, $0x38;
	[tilespmem:$0xB900] =	vst v63  }
0x10c: {  	_ =	swait.ge [sflag:s10], $0x5000  }
0x10d: {  	[sflag:s10] =	ssyncset.done $0x0  }
0x10e: {  	s20 =	rddreg [dreg:$0x11];
	[sflag:s10] =	ssyncadd.s32 $0xFFFFB000  }
0x10f: {  	[tilespmem:s7], [sflag:$0x2] =	stream.indirect.gather [hbm4b:s3+s6], $0x20, s20, s6, $0xb8;
	[tilespmem:$0xB900] =	vst v63  }
0x110: {  	s21 =	rddreg [dreg:$0x12]  }
0x111: {  	[tilespmem:s9], [sflag:$0x2] =	stream.indirect.gather [hbm4b:s3+s6], $0x20, s21, s6, $0xb8;
	[tilespmem:$0xB900] =	vst v63  }
0x112: {  	s20 =	rddreg [dreg:$0x13]  }
0x113: {  	[tilespmem:s11], [sflag:$0x2] =	stream.indirect.gather [hbm4b:s3+s6], $0x20, s20, s6, $0xb8;
	[tilespmem:$0xB900] =	vst v63  }
0x114: {  	s21 =	rddreg [dreg:$0x14]  }
0x115: {  	[tilespmem:s14], [sflag:$0x2] =	stream.indirect.gather [hbm4b:s3+s6], $0x20, s21, s6, $0xb8;
	[tilespmem:$0xB900] =	vst v63  }
0x116: {  	s20 =	rddreg [dreg:$0x15]  }
0x117: {  	[tilespmem:s17], [sflag:$0x2] =	stream.indirect.gather [hbm4b:s3+s6], $0x20, s20, s6, $0xb8;
	[tilespmem:$0xB900] =	vst v63  }
0x118: {  	_ =	swait.ge [sflag:s16], $0x5000  }
0x119: {  	[sflag:s16] =	ssyncset.done $0x0  }
0x11a: {  	[sflag:s16] =	ssyncadd.s32 $0xFFFFB000  }
0x11b: {  	[hbm4b:s24+s2] =	stream.linear.scatter [tilespmem:s5], [sflag:$0x3], $0x5000, $0x38;
	[tilespmem:$0xB900] =	vst v63  }
0x11c: {  	_ =	swait.ge [sflag:s8], $0x5000  }
0x11d: {  	[sflag:s8] =	ssyncset.done $0x0  }
0x11e: {  	s20 =	rddreg [dreg:$0x16];
	[sflag:s8] =	ssyncadd.s32 $0xFFFFB000  }
0x11f: {  	[tilespmem:s5], [sflag:$0x1] =	stream.indirect.gather [hbm4b:s3+s6], $0x20, s20, s6, $0xb8;
	[tilespmem:$0xB900] =	vst v63  }
0x120: {  	s21 =	rddreg [dreg:$0x17]  }
0x121: {  	[tilespmem:s12], [sflag:$0x1] =	stream.indirect.gather [hbm4b:s3+s6], $0x20, s21, s6, $0xb8;
	[tilespmem:$0xB900] =	vst v63  }
0x122: {  	s20 =	rddreg [dreg:$0x18]  }
0x123: {  	[tilespmem:s13], [sflag:$0x1] =	stream.indirect.gather [hbm4b:s3+s6], $0x20, s20, s6, $0xb8;
	[tilespmem:$0xB900] =	vst v63  }
0x124: {  	s21 =	rddreg [dreg:$0x19]  }
0x125: {  	[tilespmem:s15], [sflag:$0x1] =	stream.indirect.gather [hbm4b:s3+s6], $0x20, s21, s6, $0xb8;
	[tilespmem:$0xB900] =	vst v63  }
0x126: {  	s20 =	rddreg [dreg:$0x1a]  }
0x127: {  	[tilespmem:s19], [sflag:$0x1] =	stream.indirect.gather [hbm4b:s3+s6], $0x20, s20, s6, $0xb8;
	[tilespmem:$0xB900] =	vst v63  }
0x128: {  	_ =	swait.ge [sflag:s18], $0x5000  }
0x129: {  	[sflag:s18] =	ssyncset.done $0x0  }
0x12a: {  	[sflag:s18] =	ssyncadd.s32 $0xFFFFB000  }
0x12b: {  	[hbm4b:s25+s2] =	stream.linear.scatter [tilespmem:s7], [sflag:$0x4], $0x5000, $0x38;
	[tilespmem:$0xB900] =	vst v63  }
0x12c: {  	_ =	swait.ge [sflag:s10], $0x5000  }
0x12d: {  	[sflag:s10] =	ssyncset.done $0x0  }
0x12e: {  	s20 =	rddreg [dreg:$0x1b];
	[sflag:s10] =	ssyncadd.s32 $0xFFFFB000  }
0x12f: {  	[tilespmem:s7], [sflag:$0x2] =	stream.indirect.gather [hbm4b:s3+s6], $0x20, s20, s6, $0xb8;
	[tilespmem:$0xB900] =	vst v63  }
0x130: {  	s21 =	rddreg [dreg:$0x1c]  }
0x131: {  	[tilespmem:s9], [sflag:$0x2] =	stream.indirect.gather [hbm4b:s3+s6], $0x20, s21, s6, $0xb8;
	[tilespmem:$0xB900] =	vst v63  }
0x132: {  	s20 =	rddreg [dreg:$0x1d]  }
0x133: {  	[tilespmem:s11], [sflag:$0x2] =	stream.indirect.gather [hbm4b:s3+s6], $0x20, s20, s6, $0xb8;
	[tilespmem:$0xB900] =	vst v63  }
0x134: {  	s21 =	rddreg [dreg:$0x1e]  }
0x135: {  	[tilespmem:s14], [sflag:$0x2] =	stream.indirect.gather [hbm4b:s3+s6], $0x20, s21, s6, $0xb8;
	[tilespmem:$0xB900] =	vst v63  }
0x136: {  	s20 =	rddreg [dreg:$0x1f]  }
0x137: {  	[tilespmem:s17], [sflag:$0x2] =	stream.indirect.gather [hbm4b:s3+s6], $0x20, s20, s6, $0xb8;
	[tilespmem:$0xB900] =	vst v63  }
0x138: {  	_ =	swait.ge [sflag:s16], $0x5000  }
0x139: {  	[sflag:s16] =	ssyncset.done $0x0  }
0x13a: {  	[sflag:s16] =	ssyncadd.s32 $0xFFFFB000  }
0x13b: {  	[hbm4b:s26+s2] =	stream.linear.scatter [tilespmem:s5], [sflag:$0x3], $0x5000, $0x38;
	[tilespmem:$0xB900] =	vst v63  }
0x13c: {  	_ =	swait.ge [sflag:s8], $0x5000  }
0x13d: {  	s20 =	sld [smem:$0x7EC]  }
0x13e: {  	[sflag:s8] =	ssyncset.done $0x0  }
0x13f: {  	s21 =	sld [smem:$0x7ED];
	[sflag:s8] =	ssyncadd.s32 $0xFFFFB000  }
0x140: {  	[tilespmem:s5], [sflag:$0x1] =	stream.indirect.gather [hbm4b:s3+s6], $0x20, s20, s6, $0xb8;
	[tilespmem:$0xB900] =	vst v63  }
0x141: {  	s20 =	sld [smem:$0x7EE]  }
0x142: {  	[tilespmem:s12], [sflag:$0x1] =	stream.indirect.gather [hbm4b:s3+s6], $0x20, s21, s6, $0xb8;
	[tilespmem:$0xB900] =	vst v63  }
0x143: {  	s21 =	sld [smem:$0x7EF]  }
0x144: {  	[tilespmem:s13], [sflag:$0x1] =	stream.indirect.gather [hbm4b:s3+s6], $0x20, s20, s6, $0xb8;
	[tilespmem:$0xB900] =	vst v63  }
0x145: {  	s20 =	sld [smem:$0x7F0]  }
0x146: {  	[tilespmem:s15], [sflag:$0x1] =	stream.indirect.gather [hbm4b:s3+s6], $0x20, s21, s6, $0xb8;
	[tilespmem:$0xB900] =	vst v63  }
0x147: {  	_ = 	snop  }
0x148: {  	[tilespmem:s19], [sflag:$0x1] =	stream.indirect.gather [hbm4b:s3+s6], $0x20, s20, s6, $0xb8;
	[tilespmem:$0xB900] =	vst v63  }
0x149: {  	_ =	swait.ge [sflag:s18], $0x5000  }
0x14a: {  	[sflag:s18] =	ssyncset.done $0x0  }
0x14b: {  	[sflag:s18] =	ssyncadd.s32 $0xFFFFB000  }
0x14c: {  	[hbm4b:s28+s2] =	stream.linear.scatter [tilespmem:s7], [sflag:$0x4], $0x5000, $0x38;
	[tilespmem:$0xB900] =	vst v63  }
0x14d: {  	_ =	swait.ge [sflag:s10], $0x5000  }
0x14e: {  	s20 =	sld [smem:$0x7F1]  }
0x14f: {  	[sflag:s10] =	ssyncset.done $0x0  }
0x150: {  	s21 =	sld [smem:$0x7F2];
	[sflag:s10] =	ssyncadd.s32 $0xFFFFB000  }
0x151: {  	[tilespmem:s7], [sflag:$0x2] =	stream.indirect.gather [hbm4b:s3+s6], $0x20, s20, s6, $0xb8;
	[tilespmem:$0xB900] =	vst v63  }
0x152: {  	s20 =	sld [smem:$0x7F3]  }
0x153: {  	[tilespmem:s9], [sflag:$0x2] =	stream.indirect.gather [hbm4b:s3+s6], $0x20, s21, s6, $0xb8;
	[tilespmem:$0xB900] =	vst v63  }
0x154: {  	s21 =	sld [smem:$0x7F4]  }
0x155: {  	[tilespmem:s11], [sflag:$0x2] =	stream.indirect.gather [hbm4b:s3+s6], $0x20, s20, s6, $0xb8;
	[tilespmem:$0xB900] =	vst v63  }
0x156: {  	s20 =	sld [smem:$0x7F5]  }
0x157: {  	[tilespmem:s14], [sflag:$0x2] =	stream.indirect.gather [hbm4b:s3+s6], $0x20, s21, s6, $0xb8;
	[tilespmem:$0xB900] =	vst v63  }
0x158: {  	_ = 	snop  }
0x159: {  	[tilespmem:s17], [sflag:$0x2] =	stream.indirect.gather [hbm4b:s3+s6], $0x20, s20, s6, $0xb8;
	[tilespmem:$0xB900] =	vst v63  }
0x15a: {  	_ =	swait.ge [sflag:s16], $0x5000  }
0x15b: {  	[sflag:s16] =	ssyncset.done $0x0  }
0x15c: {  	[sflag:s16] =	ssyncadd.s32 $0xFFFFB000  }
0x15d: {  	[hbm4b:s29+s2] =	stream.linear.scatter [tilespmem:s5], [sflag:$0x3], $0x5000, $0x38;
	[tilespmem:$0xB900] =	vst v63  }
0x15e: {  	_ =	swait.ge [sflag:s8], $0x5000  }
0x15f: {  	s20 =	sld [smem:$0x7F6]  }
0x160: {  	[sflag:s8] =	ssyncset.done $0x0  }
0x161: {  	s21 =	sld [smem:$0x7F7];
	[sflag:s8] =	ssyncadd.s32 $0xFFFFB000  }
0x162: {  	[tilespmem:s5], [sflag:$0x1] =	stream.indirect.gather [hbm4b:s3+s6], $0x20, s20, s6, $0xb8;
	[tilespmem:$0xB900] =	vst v63  }
0x163: {  	s20 =	sld [smem:$0x7F8]  }
0x164: {  	[tilespmem:s12], [sflag:$0x1] =	stream.indirect.gather [hbm4b:s3+s6], $0x20, s21, s6, $0xb8;
	[tilespmem:$0xB900] =	vst v63  }
0x165: {  	s21 =	sld [smem:$0x7F9]  }
0x166: {  	[tilespmem:s13], [sflag:$0x1] =	stream.indirect.gather [hbm4b:s3+s6], $0x20, s20, s6, $0xb8;
	[tilespmem:$0xB900] =	vst v63  }
0x167: {  	s20 =	sld [smem:$0x7FA]  }
0x168: {  	[tilespmem:s15], [sflag:$0x1] =	stream.indirect.gather [hbm4b:s3+s6], $0x20, s21, s6, $0xb8;
	[tilespmem:$0xB900] =	vst v63  }
0x169: {  	_ = 	snop  }
0x16a: {  	[tilespmem:s19], [sflag:$0x1] =	stream.indirect.gather [hbm4b:s3+s6], $0x20, s20, s6, $0xb8;
	[tilespmem:$0xB900] =	vst v63  }
0x16b: {  	_ =	swait.ge [sflag:s18], $0x5000  }
0x16c: {  	[sflag:s18] =	ssyncset.done $0x0  }
0x16d: {  	[sflag:s18] =	ssyncadd.s32 $0xFFFFB000  }
0x16e: {  	[hbm4b:s30+s2] =	stream.linear.scatter [tilespmem:s7], [sflag:$0x4], $0x5000, $0x38;
	[tilespmem:$0xB900] =	vst v63  }
0x16f: {  	_ =	swait.ge [sflag:s10], $0x5000  }
0x170: {  	s20 =	sld [smem:$0x7FB]  }
0x171: {  	[sflag:s10] =	ssyncset.done $0x0  }
0x172: {  	s21 =	sld [smem:$0x7FC];
	[sflag:s10] =	ssyncadd.s32 $0xFFFFB000  }
0x173: {  	[tilespmem:s7], [sflag:$0x2] =	stream.indirect.gather [hbm4b:s3+s6], $0x20, s20, s6, $0xb8;
	[tilespmem:$0xB900] =	vst v63  }
0x174: {  	s20 =	sld [smem:$0x7FD]  }
0x175: {  	[tilespmem:s9], [sflag:$0x2] =	stream.indirect.gather [hbm4b:s3+s6], $0x20, s21, s6, $0xb8;
	[tilespmem:$0xB900] =	vst v63  }
0x176: {  	_ = 	snop  }
0x177: {  	[tilespmem:s11], [sflag:$0x2] =	stream.indirect.gather [hbm4b:s3+s6], $0x20, s20, s6, $0xb8;
	[tilespmem:$0xB900] =	vst v63  }
0x178: {  	s21 =	simm.s32 $0x1800  }
0x179: {  	[tilespmem:s14], [sflag:$0x2] =	stream.indirect.gather [hbm4b:s3+s6], $0x20, s21, s6, $0xb8;
	[tilespmem:$0xB900] =	vst v63  }
0x17a: {  	s21 =	simm.s32 $0x1880  }
0x17b: {  	[tilespmem:s17], [sflag:$0x2] =	stream.indirect.gather [hbm4b:s3+s6], $0x20, s21, s6, $0xb8;
	[tilespmem:$0xB900] =	vst v63  }
0x17c: {  	_ =	swait.ge [sflag:s16], $0x5000  }
0x17d: {  	[sflag:s16] =	ssyncset.done $0x0  }
0x17e: {  	[sflag:s16] =	ssyncadd.s32 $0xFFFFB000  }
0x17f: {  	[hbm4b:s31+s2] =	stream.linear.scatter [tilespmem:s5], [sflag:$0x3], $0x5000, $0x38;
	[tilespmem:$0xB900] =	vst v63  }
0x180: {  	_ =	swait.ge [sflag:s18], $0x5000  }
0x181: {  	[sflag:s18] =	ssyncset.done $0x0  }
0x182: {  	p1 =	sne.s32 s0, $0x1;
	[sflag:s18] =	ssyncadd.s32 $0xFFFFB000  }
0x183: {  	[hbm4b:s1+s2] =	stream.linear.scatter [tilespmem:s7], [sflag:$0x4], $0x5000, $0x38;
	[tilespmem:$0xB900] =	vst v63  }
.Ltmp2:
0x184: {  	_ =	swait.ge [sflag:s8], $0x5000;
	(pc) =	sbr.rel @p1 .LBB2_3-.Ltmp2, $4  }
0x185: {  	[sflag:s8] =	ssyncset.done $0x0  }
0x186: {  	[sflag:s8] =	ssyncadd.s32 $0xFFFFB000  }
0x187: {  	_ =	swait.ge [sflag:s10], $0x5000  }
0x188: {  	s0 =	sadd.s32 $0xFFFFFFFF, s0;
	s20 =	rddreg [dreg:$0x3];
	[sflag:s10] =	ssyncset.done $0x0  }
0x189: {  	s21 =	stileid.u32  }
0x18a: {  	s23 =	rddreg [dreg:$0x2];
	s31 =	simm.s32 $0x1800;
	s24 =	simm.s32 $0x1880  }
.LBB2_5:
0x18b: {  	[sflag:s10] =	ssyncadd.s32 @p0 $0xFFFFB000  }
0x18c: {  	[tilespmem:s2], [sflag:$0x5] =	stream.linear.gather [hbm4b:s20+s2], $0x1900, $0x38;
	[tilespmem:$0xB900] =	vst v63  }
0x18d: {  	_ =	swait.ge [sflag:s22], $0x1900  }
0x18e: {  	[sflag:s22] =	ssyncset.done $0x0  }
0x18f: {  	[sflag:s22] =	ssyncadd.s32 $0xFFFFE700  }
0x190: {  	[tilespmem:s5], [sflag:$0x1] =	stream.indirect.gather [hbm4b:s3+s6], $0x20, s2, s6, $0xb8;
	[tilespmem:$0xB900] =	vst v63  }
0x191: {  	_ = 	snop  }
0x192: {  	[tilespmem:s12], [sflag:$0x1] =	stream.indirect.gather [hbm4b:s3+s6], $0x20, s6, s6, $0xb8;
	[tilespmem:$0xB900] =	vst v63  }
0x193: {  	s0 =	rddreg [dreg:$0x4]  }
0x194: {  	[tilespmem:s13], [sflag:$0x1] =	stream.indirect.gather [hbm4b:s3+s6], $0x20, s0, s6, $0xb8;
	[tilespmem:$0xB900] =	vst v63  }
0x195: {  	s1 =	rddreg [dreg:$0x5]  }
0x196: {  	[tilespmem:s15], [sflag:$0x1] =	stream.indirect.gather [hbm4b:s3+s6], $0x20, s1, s6, $0xb8;
	[tilespmem:$0xB900] =	vst v63  }
0x197: {  	s29 =	rddreg [dreg:$0x6]  }
0x198: {  	[tilespmem:s19], [sflag:$0x1] =	stream.indirect.gather [hbm4b:s3+s6], $0x20, s29, s6, $0xb8;
	[tilespmem:$0xB900] =	vst v63  }
0x199: {  	s30 =	rddreg [dreg:$0x7]  }
0x19a: {  	[tilespmem:s7], [sflag:$0x2] =	stream.indirect.gather [hbm4b:s3+s6], $0x20, s30, s6, $0xb8;
	[tilespmem:$0xB900] =	vst v63  }
0x19b: {  	s20 =	rddreg [dreg:$0x8]  }
0x19c: {  	[tilespmem:s9], [sflag:$0x2] =	stream.indirect.gather [hbm4b:s3+s6], $0x20, s20, s6, $0xb8;
	[tilespmem:$0xB900] =	vst v63  }
0x19d: {  	s22 =	rddreg [dreg:$0x9]  }
0x19e: {  	[tilespmem:s11], [sflag:$0x2] =	stream.indirect.gather [hbm4b:s3+s6], $0x20, s22, s6, $0xb8;
	[tilespmem:$0xB900] =	vst v63  }
0x19f: {  	s25 =	rddreg [dreg:$0xa]  }
0x1a0: {  	[tilespmem:s14], [sflag:$0x2] =	stream.indirect.gather [hbm4b:s3+s6], $0x20, s25, s6, $0xb8;
	[tilespmem:$0xB900] =	vst v63  }
0x1a1: {  	s26 =	rddreg [dreg:$0xb]  }
0x1a2: {  	[tilespmem:s17], [sflag:$0x2] =	stream.indirect.gather [hbm4b:s3+s6], $0x20, s26, s6, $0xb8;
	[tilespmem:$0xB900] =	vst v63  }
0x1a3: {  	_ =	swait.ge [sflag:s16], $0x5000  }
0x1a4: {  	[sflag:s16] =	ssyncset.done $0x0  }
0x1a5: {  	[sflag:s16] =	ssyncadd.s32 $0xFFFFB000  }
0x1a6: {  	[hbm4b:s4+s2] =	stream.linear.scatter [tilespmem:s5], [sflag:$0x3], $0x5000, $0x38;
	[tilespmem:$0xB900] =	vst v63  }
0x1a7: {  	_ =	swait.ge [sflag:s8], $0x5000  }
0x1a8: {  	[sflag:s8] =	ssyncset.done $0x0  }
0x1a9: {  	s28 =	rddreg [dreg:$0xc];
	[sflag:s8] =	ssyncadd.s32 $0xFFFFB000  }
0x1aa: {  	[tilespmem:s5], [sflag:$0x1] =	stream.indirect.gather [hbm4b:s3+s6], $0x20, s28, s6, $0xb8;
	[tilespmem:$0xB900] =	vst v63  }
0x1ab: {  	s29 =	rddreg [dreg:$0xd]  }
0x1ac: {  	[tilespmem:s12], [sflag:$0x1] =	stream.indirect.gather [hbm4b:s3+s6], $0x20, s29, s6, $0xb8;
	[tilespmem:$0xB900] =	vst v63  }
0x1ad: {  	s30 =	rddreg [dreg:$0xe]  }
0x1ae: {  	[tilespmem:s13], [sflag:$0x1] =	stream.indirect.gather [hbm4b:s3+s6], $0x20, s30, s6, $0xb8;
	[tilespmem:$0xB900] =	vst v63  }
0x1af: {  	s20 =	rddreg [dreg:$0xf]  }
0x1b0: {  	[tilespmem:s15], [sflag:$0x1] =	stream.indirect.gather [hbm4b:s3+s6], $0x20, s20, s6, $0xb8;
	[tilespmem:$0xB900] =	vst v63  }
0x1b1: {  	s22 =	rddreg [dreg:$0x10]  }
0x1b2: {  	[tilespmem:s19], [sflag:$0x1] =	stream.indirect.gather [hbm4b:s3+s6], $0x20, s22, s6, $0xb8;
	[tilespmem:$0xB900] =	vst v63  }
0x1b3: {  	_ =	swait.ge [sflag:s18], $0x5000  }
0x1b4: {  	[sflag:s18] =	ssyncset.done $0x0  }
0x1b5: {  	s25 =	sadd.s32 $0xA00, s4;
	[sflag:s18] =	ssyncadd.s32 $0xFFFFB000  }
0x1b6: {  	[hbm4b:s25+s2] =	stream.linear.scatter [tilespmem:s7], [sflag:$0x4], $0x5000, $0x38;
	[tilespmem:$0xB900] =	vst v63  }
0x1b7: {  	_ =	swait.ge [sflag:s10], $0x5000  }
0x1b8: {  	[sflag:s10] =	ssyncset.done $0x0  }
0x1b9: {  	s26 =	rddreg [dreg:$0x11];
	[sflag:s10] =	ssyncadd.s32 $0xFFFFB000  }
0x1ba: {  	[tilespmem:s7], [sflag:$0x2] =	stream.indirect.gather [hbm4b:s3+s6], $0x20, s26, s6, $0xb8;
	[tilespmem:$0xB900] =	vst v63  }
0x1bb: {  	s28 =	rddreg [dreg:$0x12]  }
0x1bc: {  	[tilespmem:s9], [sflag:$0x2] =	stream.indirect.gather [hbm4b:s3+s6], $0x20, s28, s6, $0xb8;
	[tilespmem:$0xB900] =	vst v63  }
0x1bd: {  	s29 =	rddreg [dreg:$0x13]  }
0x1be: {  	[tilespmem:s11], [sflag:$0x2] =	stream.indirect.gather [hbm4b:s3+s6], $0x20, s29, s6, $0xb8;
	[tilespmem:$0xB900] =	vst v63  }
0x1bf: {  	s30 =	rddreg [dreg:$0x14]  }
0x1c0: {  	[tilespmem:s14], [sflag:$0x2] =	stream.indirect.gather [hbm4b:s3+s6], $0x20, s30, s6, $0xb8;
	[tilespmem:$0xB900] =	vst v63  }
0x1c1: {  	s20 =	rddreg [dreg:$0x15]  }
0x1c2: {  	[tilespmem:s17], [sflag:$0x2] =	stream.indirect.gather [hbm4b:s3+s6], $0x20, s20, s6, $0xb8;
	[tilespmem:$0xB900] =	vst v63  }
0x1c3: {  	_ =	swait.ge [sflag:s16], $0x5000  }
0x1c4: {  	[sflag:s16] =	ssyncset.done $0x0  }
0x1c5: {  	s22 =	sadd.s32 $0x1400, s4;
	[sflag:s16] =	ssyncadd.s32 $0xFFFFB000  }
0x1c6: {  	[hbm4b:s22+s2] =	stream.linear.scatter [tilespmem:s5], [sflag:$0x3], $0x5000, $0x38;
	[tilespmem:$0xB900] =	vst v63  }
0x1c7: {  	_ =	swait.ge [sflag:s8], $0x5000  }
0x1c8: {  	[sflag:s8] =	ssyncset.done $0x0  }
0x1c9: {  	s25 =	rddreg [dreg:$0x16];
	[sflag:s8] =	ssyncadd.s32 $0xFFFFB000  }
0x1ca: {  	[tilespmem:s5], [sflag:$0x1] =	stream.indirect.gather [hbm4b:s3+s6], $0x20, s25, s6, $0xb8;
	[tilespmem:$0xB900] =	vst v63  }
0x1cb: {  	s26 =	rddreg [dreg:$0x17]  }
0x1cc: {  	[tilespmem:s12], [sflag:$0x1] =	stream.indirect.gather [hbm4b:s3+s6], $0x20, s26, s6, $0xb8;
	[tilespmem:$0xB900] =	vst v63  }
0x1cd: {  	s28 =	rddreg [dreg:$0x18]  }
0x1ce: {  	[tilespmem:s13], [sflag:$0x1] =	stream.indirect.gather [hbm4b:s3+s6], $0x20, s28, s6, $0xb8;
	[tilespmem:$0xB900] =	vst v63  }
0x1cf: {  	s29 =	rddreg [dreg:$0x19]  }
0x1d0: {  	[tilespmem:s15], [sflag:$0x1] =	stream.indirect.gather [hbm4b:s3+s6], $0x20, s29, s6, $0xb8;
	[tilespmem:$0xB900] =	vst v63  }
0x1d1: {  	s30 =	rddreg [dreg:$0x1a]  }
0x1d2: {  	[tilespmem:s19], [sflag:$0x1] =	stream.indirect.gather [hbm4b:s3+s6], $0x20, s30, s6, $0xb8;
	[tilespmem:$0xB900] =	vst v63  }
0x1d3: {  	_ =	swait.ge [sflag:s18], $0x5000  }
0x1d4: {  	[sflag:s18] =	ssyncset.done $0x0  }
0x1d5: {  	s20 =	sadd.s32 $0x1E00, s4;
	[sflag:s18] =	ssyncadd.s32 $0xFFFFB000  }
0x1d6: {  	[hbm4b:s20+s2] =	stream.linear.scatter [tilespmem:s7], [sflag:$0x4], $0x5000, $0x38;
	[tilespmem:$0xB900] =	vst v63  }
0x1d7: {  	_ =	swait.ge [sflag:s10], $0x5000  }
0x1d8: {  	[sflag:s10] =	ssyncset.done $0x0  }
0x1d9: {  	s22 =	rddreg [dreg:$0x1b];
	[sflag:s10] =	ssyncadd.s32 $0xFFFFB000  }
0x1da: {  	[tilespmem:s7], [sflag:$0x2] =	stream.indirect.gather [hbm4b:s3+s6], $0x20, s22, s6, $0xb8;
	[tilespmem:$0xB900] =	vst v63  }
0x1db: {  	s25 =	rddreg [dreg:$0x1c]  }
0x1dc: {  	[tilespmem:s9], [sflag:$0x2] =	stream.indirect.gather [hbm4b:s3+s6], $0x20, s25, s6, $0xb8;
	[tilespmem:$0xB900] =	vst v63  }
0x1dd: {  	s26 =	rddreg [dreg:$0x1d]  }
0x1de: {  	[tilespmem:s11], [sflag:$0x2] =	stream.indirect.gather [hbm4b:s3+s6], $0x20, s26, s6, $0xb8;
	[tilespmem:$0xB900] =	vst v63  }
0x1df: {  	s28 =	rddreg [dreg:$0x1e]  }
0x1e0: {  	[tilespmem:s14], [sflag:$0x2] =	stream.indirect.gather [hbm4b:s3+s6], $0x20, s28, s6, $0xb8;
	[tilespmem:$0xB900] =	vst v63  }
0x1e1: {  	s29 =	rddreg [dreg:$0x1f]  }
0x1e2: {  	[tilespmem:s17], [sflag:$0x2] =	stream.indirect.gather [hbm4b:s3+s6], $0x20, s29, s6, $0xb8;
	[tilespmem:$0xB900] =	vst v63  }
0x1e3: {  	_ =	swait.ge [sflag:s16], $0x5000  }
0x1e4: {  	[sflag:s16] =	ssyncset.done $0x0  }
0x1e5: {  	s30 =	sadd.s32 $0x2800, s4;
	[sflag:s16] =	ssyncadd.s32 $0xFFFFB000  }
0x1e6: {  	[hbm4b:s30+s2] =	stream.linear.scatter [tilespmem:s5], [sflag:$0x3], $0x5000, $0x38;
	[tilespmem:$0xB900] =	vst v63  }
0x1e7: {  	_ =	swait.ge [sflag:s8], $0x5000  }
0x1e8: {  	s1 =	sld [smem:$0x7EC]  }
0x1e9: {  	[sflag:s8] =	ssyncset.done $0x0  }
0x1ea: {  	s20 =	sld [smem:$0x7ED];
	[sflag:s8] =	ssyncadd.s32 $0xFFFFB000  }
0x1eb: {  	[tilespmem:s5], [sflag:$0x1] =	stream.indirect.gather [hbm4b:s3+s6], $0x20, s1, s6, $0xb8;
	[tilespmem:$0xB900] =	vst v63  }
0x1ec: {  	s22 =	sld [smem:$0x7EE]  }
0x1ed: {  	[tilespmem:s12], [sflag:$0x1] =	stream.indirect.gather [hbm4b:s3+s6], $0x20, s20, s6, $0xb8;
	[tilespmem:$0xB900] =	vst v63  }
0x1ee: {  	s25 =	sld [smem:$0x7EF]  }
0x1ef: {  	[tilespmem:s13], [sflag:$0x1] =	stream.indirect.gather [hbm4b:s3+s6], $0x20, s22, s6, $0xb8;
	[tilespmem:$0xB900] =	vst v63  }
0x1f0: {  	s26 =	sld [smem:$0x7F0]  }
0x1f1: {  	[tilespmem:s15], [sflag:$0x1] =	stream.indirect.gather [hbm4b:s3+s6], $0x20, s25, s6, $0xb8;
	[tilespmem:$0xB900] =	vst v63  }
0x1f2: {  	_ = 	snop  }
0x1f3: {  	[tilespmem:s19], [sflag:$0x1] =	stream.indirect.gather [hbm4b:s3+s6], $0x20, s26, s6, $0xb8;
	[tilespmem:$0xB900] =	vst v63  }
0x1f4: {  	_ =	swait.ge [sflag:s18], $0x5000  }
0x1f5: {  	[sflag:s18] =	ssyncset.done $0x0  }
0x1f6: {  	s28 =	sadd.s32 $0x3200, s4;
	[sflag:s18] =	ssyncadd.s32 $0xFFFFB000  }
0x1f7: {  	[hbm4b:s28+s2] =	stream.linear.scatter [tilespmem:s7], [sflag:$0x4], $0x5000, $0x38;
	[tilespmem:$0xB900] =	vst v63  }
0x1f8: {  	_ =	swait.ge [sflag:s10], $0x5000  }
0x1f9: {  	s29 =	sld [smem:$0x7F1]  }
0x1fa: {  	[sflag:s10] =	ssyncset.done $0x0  }
0x1fb: {  	s30 =	sld [smem:$0x7F2];
	[sflag:s10] =	ssyncadd.s32 $0xFFFFB000  }
0x1fc: {  	[tilespmem:s7], [sflag:$0x2] =	stream.indirect.gather [hbm4b:s3+s6], $0x20, s29, s6, $0xb8;
	[tilespmem:$0xB900] =	vst v63  }
0x1fd: {  	s20 =	sld [smem:$0x7F3]  }
0x1fe: {  	[tilespmem:s9], [sflag:$0x2] =	stream.indirect.gather [hbm4b:s3+s6], $0x20, s30, s6, $0xb8;
	[tilespmem:$0xB900] =	vst v63  }
0x1ff: {  	s22 =	sld [smem:$0x7F4]  }
0x200: {  	[tilespmem:s11], [sflag:$0x2] =	stream.indirect.gather [hbm4b:s3+s6], $0x20, s20, s6, $0xb8;
	[tilespmem:$0xB900] =	vst v63  }
0x201: {  	s25 =	sld [smem:$0x7F5]  }
0x202: {  	[tilespmem:s14], [sflag:$0x2] =	stream.indirect.gather [hbm4b:s3+s6], $0x20, s22, s6, $0xb8;
	[tilespmem:$0xB900] =	vst v63  }
0x203: {  	_ = 	snop  }
0x204: {  	[tilespmem:s17], [sflag:$0x2] =	stream.indirect.gather [hbm4b:s3+s6], $0x20, s25, s6, $0xb8;
	[tilespmem:$0xB900] =	vst v63  }
0x205: {  	_ =	swait.ge [sflag:s16], $0x5000  }
0x206: {  	[sflag:s16] =	ssyncset.done $0x0  }
0x207: {  	s26 =	sadd.s32 $0x3C00, s4;
	[sflag:s16] =	ssyncadd.s32 $0xFFFFB000  }
0x208: {  	[hbm4b:s26+s2] =	stream.linear.scatter [tilespmem:s5], [sflag:$0x3], $0x5000, $0x38;
	[tilespmem:$0xB900] =	vst v63  }
0x209: {  	_ =	swait.ge [sflag:s8], $0x5000  }
0x20a: {  	s28 =	sld [smem:$0x7F6]  }
0x20b: {  	[sflag:s8] =	ssyncset.done $0x0  }
0x20c: {  	s29 =	sld [smem:$0x7F7];
	[sflag:s8] =	ssyncadd.s32 $0xFFFFB000  }
0x20d: {  	[tilespmem:s5], [sflag:$0x1] =	stream.indirect.gather [hbm4b:s3+s6], $0x20, s28, s6, $0xb8;
	[tilespmem:$0xB900] =	vst v63  }
0x20e: {  	s30 =	sld [smem:$0x7F8]  }
0x20f: {  	[tilespmem:s12], [sflag:$0x1] =	stream.indirect.gather [hbm4b:s3+s6], $0x20, s29, s6, $0xb8;
	[tilespmem:$0xB900] =	vst v63  }
0x210: {  	s20 =	sld [smem:$0x7F9]  }
0x211: {  	[tilespmem:s13], [sflag:$0x1] =	stream.indirect.gather [hbm4b:s3+s6], $0x20, s30, s6, $0xb8;
	[tilespmem:$0xB900] =	vst v63  }
0x212: {  	s22 =	sld [smem:$0x7FA]  }
0x213: {  	[tilespmem:s15], [sflag:$0x1] =	stream.indirect.gather [hbm4b:s3+s6], $0x20, s20, s6, $0xb8;
	[tilespmem:$0xB900] =	vst v63  }
0x214: {  	_ = 	snop  }
0x215: {  	[tilespmem:s19], [sflag:$0x1] =	stream.indirect.gather [hbm4b:s3+s6], $0x20, s22, s6, $0xb8;
	[tilespmem:$0xB900] =	vst v63  }
0x216: {  	_ =	swait.ge [sflag:s18], $0x5000  }
0x217: {  	[sflag:s18] =	ssyncset.done $0x0  }
0x218: {  	s25 =	sadd.s32 $0x4600, s4;
	[sflag:s18] =	ssyncadd.s32 $0xFFFFB000  }
0x219: {  	[hbm4b:s25+s2] =	stream.linear.scatter [tilespmem:s7], [sflag:$0x4], $0x5000, $0x38;
	[tilespmem:$0xB900] =	vst v63  }
0x21a: {  	_ =	swait.ge [sflag:s10], $0x5000  }
0x21b: {  	s26 =	sld [smem:$0x7FB]  }
0x21c: {  	[sflag:s10] =	ssyncset.done $0x0  }
0x21d: {  	s28 =	sld [smem:$0x7FC];
	[sflag:s10] =	ssyncadd.s32 $0xFFFFB000  }
0x21e: {  	[tilespmem:s7], [sflag:$0x2] =	stream.indirect.gather [hbm4b:s3+s6], $0x20, s26, s6, $0xb8;
	[tilespmem:$0xB900] =	vst v63  }
0x21f: {  	s29 =	sld [smem:$0x7FD]  }
0x220: {  	[tilespmem:s9], [sflag:$0x2] =	stream.indirect.gather [hbm4b:s3+s6], $0x20, s28, s6, $0xb8;
	[tilespmem:$0xB900] =	vst v63  }
0x221: {  	_ = 	snop  }
0x222: {  	[tilespmem:s11], [sflag:$0x2] =	stream.indirect.gather [hbm4b:s3+s6], $0x20, s29, s6, $0xb8;
	[tilespmem:$0xB900] =	vst v63  }
0x223: {  	_ = 	snop  }
0x224: {  	[tilespmem:s14], [sflag:$0x2] =	stream.indirect.gather [hbm4b:s3+s6], $0x20, s31, s6, $0xb8;
	[tilespmem:$0xB900] =	vst v63  }
0x225: {  	_ = 	snop  }
0x226: {  	[tilespmem:s17], [sflag:$0x2] =	stream.indirect.gather [hbm4b:s3+s6], $0x20, s24, s6, $0xb8;
	[tilespmem:$0xB900] =	vst v63  }
0x227: {  	_ =	swait.ge [sflag:s16], $0x5000  }
0x228: {  	[sflag:s16] =	ssyncset.done $0x0  }
0x229: {  	s30 =	sadd.s32 $0x5000, s4;
	[sflag:s16] =	ssyncadd.s32 $0xFFFFB000  }
0x22a: {  	[hbm4b:s30+s2] =	stream.linear.scatter [tilespmem:s5], [sflag:$0x3], $0x5000, $0x38;
	[tilespmem:$0xB900] =	vst v63  }
0x22b: {  	_ =	swait.ge [sflag:s18], $0x5000  }
0x22c: {  	[sflag:s18] =	ssyncset.done $0x0  }
0x22d: {  	s31 =	sadd.s32 $0x5A00, s4;
	[sflag:s18] =	ssyncadd.s32 $0xFFFFB000  }
0x22e: {  	[hbm4b:s31+s2] =	stream.linear.scatter [tilespmem:s7], [sflag:$0x4], $0x5000, $0x38;
	[tilespmem:$0xB900] =	vst v63  }
0x22f: {  	_ =	swait.ge [sflag:s8], $0x5000  }
0x230: {  	[sflag:s8] =	ssyncset.done $0x0  }
0x231: {  	[sflag:s8] =	ssyncadd.s32 $0xFFFFB000  }
0x232: {  	_ =	swait.ge [sflag:s10], $0x5000  }
0x233: {  	[sflag:s10] =	ssyncset.done $0x0  }
0x234: {  	[sflag:s10] =	ssyncadd.s32 $0xFFFFB000  }
0x235: {  	_ =	sfence.sel $0x180000  }
0x236: {  	[bflag:$0x0] =	sbarrier.arrive $0xFFFF  }
0x237: {  	p0 =	sne.s32 s21, $0x0;
	_ =	strace $0x90000047  }
0x238: {  	s0 =	sadd.s32 @!p0 $0x100000, s23;
	[bflag:$0x2] =	sbarrier.arrive $0xFFFF  }
0x239: {  	[sflag:s0] =	ssyncadd.tile.s32 @!p0 $0x1;
	_ =	shalt  }
.LBB2_2:
.Ltmp3:
0x23a: {  	(pc) =	sbr.rel .LBB2_5-.Ltmp3, $3  }
0x23b: {  	_ =	sdelay $0x1  }
0x23c: {  	s21 =	stileid.u32  }
0x23d: {  	s23 =	rddreg [dreg:$0x2];
	s31 =	simm.s32 $0x1800;
	s24 =	simm.s32 $0x1880  }
.Lfunc_end2:
_tile_overlayer_lowered:
.L_overlay_start_2:
0x23e: {  	(tag) =	ssettag $0x2  }
0x23f: {  	s0 =	rddreg [dreg:$0x0];
	s2 =	stileid.u32  }
0x240: {  	s1 =	rddreg [dreg:$0x1];
	p0 =	sne.s32 s2, $0x0  }
0x241: {  	s3 =	rddreg [dreg:$0x2];
	[bflag:$0x3] =	sbarrier.arrive $0xFFFF;
	s2 =	simm.s32 @!p0 $0x1C05  }
0x242: {  	[timem:s3], [sflag:s2] =	dma.local @!p0 [hbm:s0], s1  }
0x243: {  	s0 =	simm.s32 @!p0 $0x5  }
0x244: {  	_ =	swait.ge @!p0 [sflag:s0], s1  }
0x245: {  	s1 =	ssub.s32 @!p0 $0x0, s1;
	[sflag:s0] =	ssyncset.done @!p0 $0x0  }
0x246: {  	[sflag:s0] =	ssyncadd.s32 @!p0 s1  }
0x247: {  	[bflag:$0x3] =	sbarrier.arrive $0xFFFF  }
0x248: {  	_ =	shalt  }

</sc_bundles>
